<compile_context>
chip_gen: v7x
topology: tpu7x:2x2x1
jax: 0.10.2.dev20260603
libtpu: 0.0.44.dev20260713+nightly
codegen_flags: <defaults>
</compile_context>

<pallas_src>
import jax
import jax.numpy as jnp
from jax import lax
from jax.experimental import pallas as pl
from jax.experimental.pallas import tpu as pltpu
from jax.experimental.pallas import tpu_sc as plsc

_NX = 32768
_NTOP = 64.0
_L = 16
_NS = 16
_CHUNK = _NX // _NS
_NVREG = _NX // _L
_NEWTON = 1
_QLOOP = 4
_ULOOP = 26
_SHIFT = 12.0
_U = 8


def _sigmoid(v):
    return 1.0 / (1.0 + jnp.exp(-v))


def _hreduce(vec, op):
    acc = vec[0]
    for k in range(1, _L):
        acc = op(acc, vec[k])
    return acc


def _lml_body(x_hbm, out_hbm, x_v, y_v):
    sid = lax.axis_index("s")

    pltpu.sync_copy(x_hbm, x_v)

    z = jnp.zeros((_L,), jnp.float32)

    def _mm(i, carry):
        vmin, vmax, a0, a1, b0, b1 = carry
        a = [a0, a1]
        b = [b0, b1]
        o = i * (_L * _U)
        for u in range(_U):
            v = x_v[pl.ds(o + u * _L, _L)]
            vmin = jnp.minimum(vmin, v)
            vmax = jnp.maximum(vmax, v)
            e = jnp.exp(v - _SHIFT)
            a[u % 2] = a[u % 2] + e
            b[u % 2] = b[u % 2] + e * e
        return (vmin, vmax, a[0], a[1], b[0], b[1])

    v0 = x_v[pl.ds(0, _L)]
    vmin, vmax, a0, a1, b0, b1 = plsc.parallel_loop(
        0, _NVREG // _U, 1, unroll=4, carry=(v0, v0, z, z, z, z))(_mm)
    xmin = _hreduce(vmin, jnp.minimum)
    xmax = _hreduce(vmax, jnp.maximum)
    p1 = _hreduce(a0 + a1, jnp.add)
    p2 = _hreduce(b0 + b1, jnp.add)

    p1v = jnp.full((_L,), p1, dtype=jnp.float32)
    p2v = jnp.full((_L,), p2, dtype=jnp.float32)
    w0 = 64.0 / p1v
    w = w0
    for _ in range(_QLOOP):
        g = w * p1v - w * w * p2v - 64.0
        gp = jnp.maximum(p1v - 2.0 * w * p2v, p1v * 0.25)
        w = jnp.minimum(jnp.maximum(w - g / gp, w0), 2.0 * w0)

    uv = jnp.full((_L,), 17.0, dtype=jnp.float32) - xmax
    for _ in range(_ULOOP):
        uv = uv - 1.0 + w * jnp.exp(-uv)

    nuv = uv - _SHIFT
    lov = jnp.full((_L,), -xmax - 20.0, dtype=jnp.float32)
    hiv = jnp.full((_L,), -xmin + 20.0, dtype=jnp.float32)

    fpv = jnp.maximum(w * p1v - 2.0 * w * w * p2v, 1e-3)
    for _ in range(_NEWTON):

        def _nacc(i, accs):
            a = list(accs)
            b = i * (_L * _U)
            for u in range(_U):
                s = _sigmoid(x_v[pl.ds(b + u * _L, _L)] + nuv)
                a[u % 4] = a[u % 4] + s
            return tuple(a)

        accs = plsc.parallel_loop(
            0, _NVREG // _U, 1, unroll=4, carry=(z, z, z, z))(_nacc)
        F = _hreduce(accs[0] + accs[1] + accs[2] + accs[3], jnp.add) - _NTOP
        Fv = jnp.full((_L,), F, dtype=jnp.float32)
        lov = jnp.where(Fv < 0.0, jnp.maximum(lov, nuv), lov)
        hiv = jnp.where(Fv >= 0.0, jnp.minimum(hiv, nuv), hiv)
        nuv = nuv - Fv / fpv
        nuv = jnp.minimum(jnp.maximum(nuv, lov), hiv)

    base = sid * _CHUNK

    def _ybody(i):
        b = i * (_L * 4)
        for u in range(4):
            y_v[pl.ds(b + u * _L, _L)] = _sigmoid(
                x_v[pl.ds(base + b + u * _L, _L)] + nuv)

    plsc.parallel_loop(0, _CHUNK // (_L * 4), 1, unroll=4)(_ybody)
    pltpu.sync_copy(y_v, out_hbm.at[pl.ds(base, _CHUNK)])


@jax.jit
def kernel(x):
    mesh = plsc.VectorSubcoreMesh(
        core_axis_name="c", subcore_axis_name="s", num_cores=1)
    run = pl.kernel(
        _lml_body,
        out_type=jax.ShapeDtypeStruct((_NX,), jnp.float32),
        mesh=mesh,
        scratch_types=[
            pltpu.VMEM((_NX,), jnp.float32),
            pltpu.VMEM((_CHUNK,), jnp.float32),
        ],
    )
    return run(x)

# --- scband reference (transcript-rebuilt; emitter-appended) ---
"""Pipeline reference for scband-lml-4440996184861 (READ-ONLY COPY).

The authoritative reference and input builder live on the scoring server;
editing this copy changes nothing except your own understanding.
"""

import jax, jax.numpy as jnp
import numpy as np

N_TOP = 64
EPS = 1e-4
N_ITER = 100
BRANCH = 100


def setup_inputs(seed: int = 0) -> dict:
    key = jax.random.key(seed)
    x = jax.random.normal(key, (32768,), dtype=jnp.float32)
    return {"x": x}


def reference(x):
    # Faithful translation of lml_forward (LML projection, forward pass).
    N = N_TOP
    nx = x.shape[0]
    if nx <= N:
        return jnp.ones(nx, dtype=x.dtype)
    x_sorted = jnp.sort(x)[::-1]
    nu_lower = -x_sorted[N - 1] - 7.0
    nu_upper = -x_sorted[N] + 7.0
    ls = jnp.linspace(0.0, 1.0, BRANCH)

    def calc_fs_single(nu):
        return jnp.sum(jax.nn.sigmoid(x + nu)) - N

    calc_fs = jax.vmap(calc_fs_single)

    r = nu_upper - nu_lower
    for _ in range(N_ITER):
        r = nu_upper - nu_lower
        nus = r * ls + nu_lower
        fs = calc_fs(nus)
        i_lower = jnp.sum(fs < 0) - 1
        i_lower = jnp.where(i_lower < 0, 0, i_lower)
        i_upper = i_lower + 1
        nu_lower = nus[i_lower]
        nu_upper = nus[i_upper]
    nu = nu_lower + r / 2.0
    y = jax.nn.sigmoid(x + nu)
    return y

if __name__ == "__main__":
    import jax
    _d = setup_inputs()
    print(jax.jit(kernel)(*tuple(_d.values())))

</pallas_src>

<mosaic_0001>
#map = affine_map<(d0, d1) -> (0)>
module attributes {stable_mosaic.version = 14 : i64} {
  func.func @_lml_body(%arg0: i32, %arg1: i32, %arg2: memref<32768xf32, #tpu.memory_space<hbm>>, %arg3: memref<32768xf32, #tpu.memory_space<hbm>>, %arg4: memref<32768xf32, #tpu.memory_space<vmem>>, %arg5: memref<2048xf32, #tpu.memory_space<vmem>>) attributes {dimension_semantics = [#tpu.dimension_semantics<core_parallel>, #tpu.dimension_semantics<subcore_parallel>], iteration_bounds = array<i64: 1, 16>, scalar_prefetch = 0 : i64, scratch_operands = 2 : i64, tpu.core_type = #tpu.core_type<sc_vector_subcore>, window_params = [{transform_indices = #map}, {transform_indices = #map}]} {
    "tpu.region"() ({
      %run_scoped3A = tpu.sem_alloc : memref<!tpu.dma_semaphore, #tpu.memory_space<semaphore_mem>>
      tpu.enqueue_dma source(%arg2 : memref<32768xf32, #tpu.memory_space<hbm>>) target(%arg4 : memref<32768xf32, #tpu.memory_space<vmem>>) target_semaphore(%run_scoped3A : memref<!tpu.dma_semaphore, #tpu.memory_space<semaphore_mem>>)
      tpu.wait_dma2 semaphore(%run_scoped3A : memref<!tpu.dma_semaphore, #tpu.memory_space<semaphore_mem>>) src(%arg2 : memref<32768xf32, #tpu.memory_space<hbm>>) dst(%arg4 : memref<32768xf32, #tpu.memory_space<vmem>>)
      tpu.yield
    }) : () -> ()
    %broadcast_in_dim3A = arith.constant 0.000000e+00 : f32
    %broadcast_in_dim3A_0 = vector.broadcast %broadcast_in_dim3A : f32 to vector<16xf32>
    %get3A = arith.constant 0 : index
    %get3A_1 = tpu.vector_load %arg4[%get3A] {strides = array<i32>} : memref<32768xf32, #tpu.memory_space<vmem>>, vector<16xf32>,
    %get3A_2 = vector.shape_cast %get3A_1 : vector<16xf32> to vector<16xf32>
    %parallel_loop3A = arith.constant 0 : i32
    %parallel_loop3A_3 = arith.constant 256 : i32
    %parallel_loop3A_4 = arith.constant 1 : i32
    %parallel_loop3A_5:6 = scf.for %parallel_loop3A_617 = %parallel_loop3A to %parallel_loop3A_3 step %parallel_loop3A_4 iter_args(%parallel_loop3A_618 = %get3A_2, %parallel_loop3A_619 = %get3A_2, %parallel_loop3A_620 = %broadcast_in_dim3A_0, %parallel_loop3A_621 = %broadcast_in_dim3A_0, %parallel_loop3A_622 = %broadcast_in_dim3A_0, %parallel_loop3A_623 = %broadcast_in_dim3A_0) -> (vector<16xf32>, vector<16xf32>, vector<16xf32>, vector<16xf32>, vector<16xf32>, vector<16xf32>)  : i32 {
      %parallel_loop3A_624 = arith.constant 128 : i32
      %parallel_loop3A_625 = arith.muli %parallel_loop3A_617, %parallel_loop3A_624 : i32
      %parallel_loop3A_626 = arith.constant 0 : i32
      %parallel_loop3A_627 = arith.addi %parallel_loop3A_625, %parallel_loop3A_626 : i32
      %parallel_loop3A_628 = arith.index_cast %parallel_loop3A_627 : i32 to index
      %parallel_loop3A_629 = tpu.vector_load %arg4[%parallel_loop3A_628] {strides = array<i32>} : memref<32768xf32, #tpu.memory_space<vmem>>, vector<16xf32>,
      %parallel_loop3A_630 = vector.shape_cast %parallel_loop3A_629 : vector<16xf32> to vector<16xf32>
      %parallel_loop3A_631 = arith.minimumf %parallel_loop3A_618, %parallel_loop3A_630 : vector<16xf32>
      %parallel_loop3A_632 = arith.maximumf %parallel_loop3A_619, %parallel_loop3A_630 : vector<16xf32>
      %parallel_loop3A_633 = arith.constant 1.200000e+01 : f32
      %parallel_loop3A_634 = vector.broadcast %parallel_loop3A_633 : f32 to vector<16xf32>
      %parallel_loop3A_635 = arith.subf %parallel_loop3A_630, %parallel_loop3A_634 : vector<16xf32>
      %parallel_loop3A_636 = math.exp %parallel_loop3A_635 : vector<16xf32>
      %parallel_loop3A_637 = arith.addf %parallel_loop3A_620, %parallel_loop3A_636 : vector<16xf32>
      %parallel_loop3A_638 = arith.mulf %parallel_loop3A_636, %parallel_loop3A_636 : vector<16xf32>
      %parallel_loop3A_639 = arith.addf %parallel_loop3A_622, %parallel_loop3A_638 : vector<16xf32>
      %parallel_loop3A_640 = arith.constant 16 : i32
      %parallel_loop3A_641 = arith.addi %parallel_loop3A_625, %parallel_loop3A_640 : i32
      %parallel_loop3A_642 = arith.index_cast %parallel_loop3A_641 : i32 to index
      %parallel_loop3A_643 = tpu.vector_load %arg4[%parallel_loop3A_642] {strides = array<i32>} : memref<32768xf32, #tpu.memory_space<vmem>>, vector<16xf32>,
      %parallel_loop3A_644 = vector.shape_cast %parallel_loop3A_643 : vector<16xf32> to vector<16xf32>
      %parallel_loop3A_645 = arith.minimumf %parallel_loop3A_631, %parallel_loop3A_644 : vector<16xf32>
      %parallel_loop3A_646 = arith.maximumf %parallel_loop3A_632, %parallel_loop3A_644 : vector<16xf32>
      %parallel_loop3A_647 = arith.constant 1.200000e+01 : f32
      %parallel_loop3A_648 = vector.broadcast %parallel_loop3A_647 : f32 to vector<16xf32>
      %parallel_loop3A_649 = arith.subf %parallel_loop3A_644, %parallel_loop3A_648 : vector<16xf32>
      %parallel_loop3A_650 = math.exp %parallel_loop3A_649 : vector<16xf32>
      %parallel_loop3A_651 = arith.addf %parallel_loop3A_621, %parallel_loop3A_650 : vector<16xf32>
      %parallel_loop3A_652 = arith.mulf %parallel_loop3A_650, %parallel_loop3A_650 : vector<16xf32>
      %parallel_loop3A_653 = arith.addf %parallel_loop3A_623, %parallel_loop3A_652 : vector<16xf32>
      %parallel_loop3A_654 = arith.constant 32 : i32
      %parallel_loop3A_655 = arith.addi %parallel_loop3A_625, %parallel_loop3A_654 : i32
      %parallel_loop3A_656 = arith.index_cast %parallel_loop3A_655 : i32 to index
      %parallel_loop3A_657 = tpu.vector_load %arg4[%parallel_loop3A_656] {strides = array<i32>} : memref<32768xf32, #tpu.memory_space<vmem>>, vector<16xf32>,
      %parallel_loop3A_658 = vector.shape_cast %parallel_loop3A_657 : vector<16xf32> to vector<16xf32>
      %parallel_loop3A_659 = arith.minimumf %parallel_loop3A_645, %parallel_loop3A_658 : vector<16xf32>
      %parallel_loop3A_660 = arith.maximumf %parallel_loop3A_646, %parallel_loop3A_658 : vector<16xf32>
      %parallel_loop3A_661 = arith.constant 1.200000e+01 : f32
      %parallel_loop3A_662 = vector.broadcast %parallel_loop3A_661 : f32 to vector<16xf32>
      %parallel_loop3A_663 = arith.subf %parallel_loop3A_658, %parallel_loop3A_662 : vector<16xf32>
      %parallel_loop3A_664 = math.exp %parallel_loop3A_663 : vector<16xf32>
      %parallel_loop3A_665 = arith.addf %parallel_loop3A_637, %parallel_loop3A_664 : vector<16xf32>
      %parallel_loop3A_666 = arith.mulf %parallel_loop3A_664, %parallel_loop3A_664 : vector<16xf32>
      %parallel_loop3A_667 = arith.addf %parallel_loop3A_639, %parallel_loop3A_666 : vector<16xf32>
      %parallel_loop3A_668 = arith.constant 48 : i32
      %parallel_loop3A_669 = arith.addi %parallel_loop3A_625, %parallel_loop3A_668 : i32
      %parallel_loop3A_670 = arith.index_cast %parallel_loop3A_669 : i32 to index
      %parallel_loop3A_671 = tpu.vector_load %arg4[%parallel_loop3A_670] {strides = array<i32>} : memref<32768xf32, #tpu.memory_space<vmem>>, vector<16xf32>,
      %parallel_loop3A_672 = vector.shape_cast %parallel_loop3A_671 : vector<16xf32> to vector<16xf32>
      %parallel_loop3A_673 = arith.minimumf %parallel_loop3A_659, %parallel_loop3A_672 : vector<16xf32>
      %parallel_loop3A_674 = arith.maximumf %parallel_loop3A_660, %parallel_loop3A_672 : vector<16xf32>
      %parallel_loop3A_675 = arith.constant 1.200000e+01 : f32
      %parallel_loop3A_676 = vector.broadcast %parallel_loop3A_675 : f32 to vector<16xf32>
      %parallel_loop3A_677 = arith.subf %parallel_loop3A_672, %parallel_loop3A_676 : vector<16xf32>
      %parallel_loop3A_678 = math.exp %parallel_loop3A_677 : vector<16xf32>
      %parallel_loop3A_679 = arith.addf %parallel_loop3A_651, %parallel_loop3A_678 : vector<16xf32>
      %parallel_loop3A_680 = arith.mulf %parallel_loop3A_678, %parallel_loop3A_678 : vector<16xf32>
      %parallel_loop3A_681 = arith.addf %parallel_loop3A_653, %parallel_loop3A_680 : vector<16xf32>
      %parallel_loop3A_682 = arith.constant 64 : i32
      %parallel_loop3A_683 = arith.addi %parallel_loop3A_625, %parallel_loop3A_682 : i32
      %parallel_loop3A_684 = arith.index_cast %parallel_loop3A_683 : i32 to index
      %parallel_loop3A_685 = tpu.vector_load %arg4[%parallel_loop3A_684] {strides = array<i32>} : memref<32768xf32, #tpu.memory_space<vmem>>, vector<16xf32>,
      %parallel_loop3A_686 = vector.shape_cast %parallel_loop3A_685 : vector<16xf32> to vector<16xf32>
      %parallel_loop3A_687 = arith.minimumf %parallel_loop3A_673, %parallel_loop3A_686 : vector<16xf32>
      %parallel_loop3A_688 = arith.maximumf %parallel_loop3A_674, %parallel_loop3A_686 : vector<16xf32>
      %parallel_loop3A_689 = arith.constant 1.200000e+01 : f32
      %parallel_loop3A_690 = vector.broadcast %parallel_loop3A_689 : f32 to vector<16xf32>
      %parallel_loop3A_691 = arith.subf %parallel_loop3A_686, %parallel_loop3A_690 : vector<16xf32>
      %parallel_loop3A_692 = math.exp %parallel_loop3A_691 : vector<16xf32>
      %parallel_loop3A_693 = arith.addf %parallel_loop3A_665, %parallel_loop3A_692 : vector<16xf32>
      %parallel_loop3A_694 = arith.mulf %parallel_loop3A_692, %parallel_loop3A_692 : vector<16xf32>
      %parallel_loop3A_695 = arith.addf %parallel_loop3A_667, %parallel_loop3A_694 : vector<16xf32>
      %parallel_loop3A_696 = arith.constant 80 : i32
      %parallel_loop3A_697 = arith.addi %parallel_loop3A_625, %parallel_loop3A_696 : i32
      %parallel_loop3A_698 = arith.index_cast %parallel_loop3A_697 : i32 to index
      %parallel_loop3A_699 = tpu.vector_load %arg4[%parallel_loop3A_698] {strides = array<i32>} : memref<32768xf32, #tpu.memory_space<vmem>>, vector<16xf32>,
      %parallel_loop3A_700 = vector.shape_cast %parallel_loop3A_699 : vector<16xf32> to vector<16xf32>
      %parallel_loop3A_701 = arith.minimumf %parallel_loop3A_687, %parallel_loop3A_700 : vector<16xf32>
      %parallel_loop3A_702 = arith.maximumf %parallel_loop3A_688, %parallel_loop3A_700 : vector<16xf32>
      %parallel_loop3A_703 = arith.constant 1.200000e+01 : f32
      %parallel_loop3A_704 = vector.broadcast %parallel_loop3A_703 : f32 to vector<16xf32>
      %parallel_loop3A_705 = arith.subf %parallel_loop3A_700, %parallel_loop3A_704 : vector<16xf32>
      %parallel_loop3A_706 = math.exp %parallel_loop3A_705 : vector<16xf32>
      %parallel_loop3A_707 = arith.addf %parallel_loop3A_679, %parallel_loop3A_706 : vector<16xf32>
      %parallel_loop3A_708 = arith.mulf %parallel_loop3A_706, %parallel_loop3A_706 : vector<16xf32>
      %parallel_loop3A_709 = arith.addf %parallel_loop3A_681, %parallel_loop3A_708 : vector<16xf32>
      %parallel_loop3A_710 = arith.constant 96 : i32
      %parallel_loop3A_711 = arith.addi %parallel_loop3A_625, %parallel_loop3A_710 : i32
      %parallel_loop3A_712 = arith.index_cast %parallel_loop3A_711 : i32 to index
      %parallel_loop3A_713 = tpu.vector_load %arg4[%parallel_loop3A_712] {strides = array<i32>} : memref<32768xf32, #tpu.memory_space<vmem>>, vector<16xf32>,
      %parallel_loop3A_714 = vector.shape_cast %parallel_loop3A_713 : vector<16xf32> to vector<16xf32>
      %parallel_loop3A_715 = arith.minimumf %parallel_loop3A_701, %parallel_loop3A_714 : vector<16xf32>
      %parallel_loop3A_716 = arith.maximumf %parallel_loop3A_702, %parallel_loop3A_714 : vector<16xf32>
      %parallel_loop3A_717 = arith.constant 1.200000e+01 : f32
      %parallel_loop3A_718 = vector.broadcast %parallel_loop3A_717 : f32 to vector<16xf32>
      %parallel_loop3A_719 = arith.subf %parallel_loop3A_714, %parallel_loop3A_718 : vector<16xf32>
      %parallel_loop3A_720 = math.exp %parallel_loop3A_719 : vector<16xf32>
      %parallel_loop3A_721 = arith.addf %parallel_loop3A_693, %parallel_loop3A_720 : vector<16xf32>
      %parallel_loop3A_722 = arith.mulf %parallel_loop3A_720, %parallel_loop3A_720 : vector<16xf32>
      %parallel_loop3A_723 = arith.addf %parallel_loop3A_695, %parallel_loop3A_722 : vector<16xf32>
      %parallel_loop3A_724 = arith.constant 112 : i32
      %parallel_loop3A_725 = arith.addi %parallel_loop3A_625, %parallel_loop3A_724 : i32
      %parallel_loop3A_726 = arith.index_cast %parallel_loop3A_725 : i32 to index
      %parallel_loop3A_727 = tpu.vector_load %arg4[%parallel_loop3A_726] {strides = array<i32>} : memref<32768xf32, #tpu.memory_space<vmem>>, vector<16xf32>,
      %parallel_loop3A_728 = vector.shape_cast %parallel_loop3A_727 : vector<16xf32> to vector<16xf32>
      %parallel_loop3A_729 = arith.minimumf %parallel_loop3A_715, %parallel_loop3A_728 : vector<16xf32>
      %parallel_loop3A_730 = arith.maximumf %parallel_loop3A_716, %parallel_loop3A_728 : vector<16xf32>
      %parallel_loop3A_731 = arith.constant 1.200000e+01 : f32
      %parallel_loop3A_732 = vector.broadcast %parallel_loop3A_731 : f32 to vector<16xf32>
      %parallel_loop3A_733 = arith.subf %parallel_loop3A_728, %parallel_loop3A_732 : vector<16xf32>
      %parallel_loop3A_734 = math.exp %parallel_loop3A_733 : vector<16xf32>
      %parallel_loop3A_735 = arith.addf %parallel_loop3A_707, %parallel_loop3A_734 : vector<16xf32>
      %parallel_loop3A_736 = arith.mulf %parallel_loop3A_734, %parallel_loop3A_734 : vector<16xf32>
      %parallel_loop3A_737 = arith.addf %parallel_loop3A_709, %parallel_loop3A_736 : vector<16xf32>
      scf.yield %parallel_loop3A_729, %parallel_loop3A_730, %parallel_loop3A_721, %parallel_loop3A_735, %parallel_loop3A_723, %parallel_loop3A_737 : vector<16xf32>, vector<16xf32>, vector<16xf32>, vector<16xf32>, vector<16xf32>, vector<16xf32>
    } {sc.loop_unroll_factor = 4 : i64, sc.parallel_access}
    %slice3A = vector.extract_strided_slice %parallel_loop3A_5#0 {offsets = [0], sizes = [1], strides = [1]} : vector<16xf32> to vector<1xf32>
    %squeeze3A = vector.extract %slice3A[0] : f32 from vector<1xf32>
    %slice3A_6 = vector.extract_strided_slice %parallel_loop3A_5#0 {offsets = [1], sizes = [1], strides = [1]} : vector<16xf32> to vector<1xf32>
    %squeeze3A_7 = vector.extract %slice3A_6[0] : f32 from vector<1xf32>
    %min3A = arith.minimumf %squeeze3A, %squeeze3A_7 : f32
    %slice3A_8 = vector.extract_strided_slice %parallel_loop3A_5#0 {offsets = [2], sizes = [1], strides = [1]} : vector<16xf32> to vector<1xf32>
    %squeeze3A_9 = vector.extract %slice3A_8[0] : f32 from vector<1xf32>
    %min3A_10 = arith.minimumf %min3A, %squeeze3A_9 : f32
    %slice3A_11 = vector.extract_strided_slice %parallel_loop3A_5#0 {offsets = [3], sizes = [1], strides = [1]} : vector<16xf32> to vector<1xf32>
    %squeeze3A_12 = vector.extract %slice3A_11[0] : f32 from vector<1xf32>
    %min3A_13 = arith.minimumf %min3A_10, %squeeze3A_12 : f32
    %slice3A_14 = vector.extract_strided_slice %parallel_loop3A_5#0 {offsets = [4], sizes = [1], strides = [1]} : vector<16xf32> to vector<1xf32>
    %squeeze3A_15 = vector.extract %slice3A_14[0] : f32 from vector<1xf32>
    %min3A_16 = arith.minimumf %min3A_13, %squeeze3A_15 : f32
    %slice3A_17 = vector.extract_strided_slice %parallel_loop3A_5#0 {offsets = [5], sizes = [1], strides = [1]} : vector<16xf32> to vector<1xf32>
    %squeeze3A_18 = vector.extract %slice3A_17[0] : f32 from vector<1xf32>
    %min3A_19 = arith.minimumf %min3A_16, %squeeze3A_18 : f32
    %slice3A_20 = vector.extract_strided_slice %parallel_loop3A_5#0 {offsets = [6], sizes = [1], strides = [1]} : vector<16xf32> to vector<1xf32>
    %squeeze3A_21 = vector.extract %slice3A_20[0] : f32 from vector<1xf32>
    %min3A_22 = arith.minimumf %min3A_19, %squeeze3A_21 : f32
    %slice3A_23 = vector.extract_strided_slice %parallel_loop3A_5#0 {offsets = [7], sizes = [1], strides = [1]} : vector<16xf32> to vector<1xf32>
    %squeeze3A_24 = vector.extract %slice3A_23[0] : f32 from vector<1xf32>
    %min3A_25 = arith.minimumf %min3A_22, %squeeze3A_24 : f32
    %slice3A_26 = vector.extract_strided_slice %parallel_loop3A_5#0 {offsets = [8], sizes = [1], strides = [1]} : vector<16xf32> to vector<1xf32>
    %squeeze3A_27 = vector.extract %slice3A_26[0] : f32 from vector<1xf32>
    %min3A_28 = arith.minimumf %min3A_25, %squeeze3A_27 : f32
    %slice3A_29 = vector.extract_strided_slice %parallel_loop3A_5#0 {offsets = [9], sizes = [1], strides = [1]} : vector<16xf32> to vector<1xf32>
    %squeeze3A_30 = vector.extract %slice3A_29[0] : f32 from vector<1xf32>
    %min3A_31 = arith.minimumf %min3A_28, %squeeze3A_30 : f32
    %slice3A_32 = vector.extract_strided_slice %parallel_loop3A_5#0 {offsets = [10], sizes = [1], strides = [1]} : vector<16xf32> to vector<1xf32>
    %squeeze3A_33 = vector.extract %slice3A_32[0] : f32 from vector<1xf32>
    %min3A_34 = arith.minimumf %min3A_31, %squeeze3A_33 : f32
    %slice3A_35 = vector.extract_strided_slice %parallel_loop3A_5#0 {offsets = [11], sizes = [1], strides = [1]} : vector<16xf32> to vector<1xf32>
    %squeeze3A_36 = vector.extract %slice3A_35[0] : f32 from vector<1xf32>
    %min3A_37 = arith.minimumf %min3A_34, %squeeze3A_36 : f32
    %slice3A_38 = vector.extract_strided_slice %parallel_loop3A_5#0 {offsets = [12], sizes = [1], strides = [1]} : vector<16xf32> to vector<1xf32>
    %squeeze3A_39 = vector.extract %slice3A_38[0] : f32 from vector<1xf32>
    %min3A_40 = arith.minimumf %min3A_37, %squeeze3A_39 : f32
    %slice3A_41 = vector.extract_strided_slice %parallel_loop3A_5#0 {offsets = [13], sizes = [1], strides = [1]} : vector<16xf32> to vector<1xf32>
    %squeeze3A_42 = vector.extract %slice3A_41[0] : f32 from vector<1xf32>
    %min3A_43 = arith.minimumf %min3A_40, %squeeze3A_42 : f32
    %slice3A_44 = vector.extract_strided_slice %parallel_loop3A_5#0 {offsets = [14], sizes = [1], strides = [1]} : vector<16xf32> to vector<1xf32>
    %squeeze3A_45 = vector.extract %slice3A_44[0] : f32 from vector<1xf32>
    %min3A_46 = arith.minimumf %min3A_43, %squeeze3A_45 : f32
    %slice3A_47 = vector.extract_strided_slice %parallel_loop3A_5#0 {offsets = [15], sizes = [1], strides = [1]} : vector<16xf32> to vector<1xf32>
    %squeeze3A_48 = vector.extract %slice3A_47[0] : f32 from vector<1xf32>
    %min3A_49 = arith.minimumf %min3A_46, %squeeze3A_48 : f32
    %slice3A_50 = vector.extract_strided_slice %parallel_loop3A_5#1 {offsets = [0], sizes = [1], strides = [1]} : vector<16xf32> to vector<1xf32>
    %squeeze3A_51 = vector.extract %slice3A_50[0] : f32 from vector<1xf32>
    %slice3A_52 = vector.extract_strided_slice %parallel_loop3A_5#1 {offsets = [1], sizes = [1], strides = [1]} : vector<16xf32> to vector<1xf32>
    %squeeze3A_53 = vector.extract %slice3A_52[0] : f32 from vector<1xf32>
    %max3A = arith.maximumf %squeeze3A_51, %squeeze3A_53 : f32
    %slice3A_54 = vector.extract_strided_slice %parallel_loop3A_5#1 {offsets = [2], sizes = [1], strides = [1]} : vector<16xf32> to vector<1xf32>
    %squeeze3A_55 = vector.extract %slice3A_54[0] : f32 from vector<1xf32>
    %max3A_56 = arith.maximumf %max3A, %squeeze3A_55 : f32
    %slice3A_57 = vector.extract_strided_slice %parallel_loop3A_5#1 {offsets = [3], sizes = [1], strides = [1]} : vector<16xf32> to vector<1xf32>
    %squeeze3A_58 = vector.extract %slice3A_57[0] : f32 from vector<1xf32>
    %max3A_59 = arith.maximumf %max3A_56, %squeeze3A_58 : f32
    %slice3A_60 = vector.extract_strided_slice %parallel_loop3A_5#1 {offsets = [4], sizes = [1], strides = [1]} : vector<16xf32> to vector<1xf32>
    %squeeze3A_61 = vector.extract %slice3A_60[0] : f32 from vector<1xf32>
    %max3A_62 = arith.maximumf %max3A_59, %squeeze3A_61 : f32
    %slice3A_63 = vector.extract_strided_slice %parallel_loop3A_5#1 {offsets = [5], sizes = [1], strides = [1]} : vector<16xf32> to vector<1xf32>
    %squeeze3A_64 = vector.extract %slice3A_63[0] : f32 from vector<1xf32>
    %max3A_65 = arith.maximumf %max3A_62, %squeeze3A_64 : f32
    %slice3A_66 = vector.extract_strided_slice %parallel_loop3A_5#1 {offsets = [6], sizes = [1], strides = [1]} : vector<16xf32> to vector<1xf32>
    %squeeze3A_67 = vector.extract %slice3A_66[0] : f32 from vector<1xf32>
    %max3A_68 = arith.maximumf %max3A_65, %squeeze3A_67 : f32
    %slice3A_69 = vector.extract_strided_slice %parallel_loop3A_5#1 {offsets = [7], sizes = [1], strides = [1]} : vector<16xf32> to vector<1xf32>
    %squeeze3A_70 = vector.extract %slice3A_69[0] : f32 from vector<1xf32>
    %max3A_71 = arith.maximumf %max3A_68, %squeeze3A_70 : f32
    %slice3A_72 = vector.extract_strided_slice %parallel_loop3A_5#1 {offsets = [8], sizes = [1], strides = [1]} : vector<16xf32> to vector<1xf32>
    %squeeze3A_73 = vector.extract %slice3A_72[0] : f32 from vector<1xf32>
    %max3A_74 = arith.maximumf %max3A_71, %squeeze3A_73 : f32
    %slice3A_75 = vector.extract_strided_slice %parallel_loop3A_5#1 {offsets = [9], sizes = [1], strides = [1]} : vector<16xf32> to vector<1xf32>
    %squeeze3A_76 = vector.extract %slice3A_75[0] : f32 from vector<1xf32>
    %max3A_77 = arith.maximumf %max3A_74, %squeeze3A_76 : f32
    %slice3A_78 = vector.extract_strided_slice %parallel_loop3A_5#1 {offsets = [10], sizes = [1], strides = [1]} : vector<16xf32> to vector<1xf32>
    %squeeze3A_79 = vector.extract %slice3A_78[0] : f32 from vector<1xf32>
    %max3A_80 = arith.maximumf %max3A_77, %squeeze3A_79 : f32
    %slice3A_81 = vector.extract_strided_slice %parallel_loop3A_5#1 {offsets = [11], sizes = [1], strides = [1]} : vector<16xf32> to vector<1xf32>
    %squeeze3A_82 = vector.extract %slice3A_81[0] : f32 from vector<1xf32>
    %max3A_83 = arith.maximumf %max3A_80, %squeeze3A_82 : f32
    %slice3A_84 = vector.extract_strided_slice %parallel_loop3A_5#1 {offsets = [12], sizes = [1], strides = [1]} : vector<16xf32> to vector<1xf32>
    %squeeze3A_85 = vector.extract %slice3A_84[0] : f32 from vector<1xf32>
    %max3A_86 = arith.maximumf %max3A_83, %squeeze3A_85 : f32
    %slice3A_87 = vector.extract_strided_slice %parallel_loop3A_5#1 {offsets = [13], sizes = [1], strides = [1]} : vector<16xf32> to vector<1xf32>
    %squeeze3A_88 = vector.extract %slice3A_87[0] : f32 from vector<1xf32>
    %max3A_89 = arith.maximumf %max3A_86, %squeeze3A_88 : f32
    %slice3A_90 = vector.extract_strided_slice %parallel_loop3A_5#1 {offsets = [14], sizes = [1], strides = [1]} : vector<16xf32> to vector<1xf32>
    %squeeze3A_91 = vector.extract %slice3A_90[0] : f32 from vector<1xf32>
    %max3A_92 = arith.maximumf %max3A_89, %squeeze3A_91 : f32
    %slice3A_93 = vector.extract_strided_slice %parallel_loop3A_5#1 {offsets = [15], sizes = [1], strides = [1]} : vector<16xf32> to vector<1xf32>
    %squeeze3A_94 = vector.extract %slice3A_93[0] : f32 from vector<1xf32>
    %max3A_95 = arith.maximumf %max3A_92, %squeeze3A_94 : f32
    %add3A = arith.addf %parallel_loop3A_5#2, %parallel_loop3A_5#3 : vector<16xf32>
    %slice3A_96 = vector.extract_strided_slice %add3A {offsets = [0], sizes = [1], strides = [1]} : vector<16xf32> to vector<1xf32>
    %squeeze3A_97 = vector.extract %slice3A_96[0] : f32 from vector<1xf32>
    %slice3A_98 = vector.extract_strided_slice %add3A {offsets = [1], sizes = [1], strides = [1]} : vector<16xf32> to vector<1xf32>
    %squeeze3A_99 = vector.extract %slice3A_98[0] : f32 from vector<1xf32>
    %add3A_100 = arith.addf %squeeze3A_97, %squeeze3A_99 : f32
    %slice3A_101 = vector.extract_strided_slice %add3A {offsets = [2], sizes = [1], strides = [1]} : vector<16xf32> to vector<1xf32>
    %squeeze3A_102 = vector.extract %slice3A_101[0] : f32 from vector<1xf32>
    %add3A_103 = arith.addf %add3A_100, %squeeze3A_102 : f32
    %slice3A_104 = vector.extract_strided_slice %add3A {offsets = [3], sizes = [1], strides = [1]} : vector<16xf32> to vector<1xf32>
    %squeeze3A_105 = vector.extract %slice3A_104[0] : f32 from vector<1xf32>
    %add3A_106 = arith.addf %add3A_103, %squeeze3A_105 : f32
    %slice3A_107 = vector.extract_strided_slice %add3A {offsets = [4], sizes = [1], strides = [1]} : vector<16xf32> to vector<1xf32>
    %squeeze3A_108 = vector.extract %slice3A_107[0] : f32 from vector<1xf32>
    %add3A_109 = arith.addf %add3A_106, %squeeze3A_108 : f32
    %slice3A_110 = vector.extract_strided_slice %add3A {offsets = [5], sizes = [1], strides = [1]} : vector<16xf32> to vector<1xf32>
    %squeeze3A_111 = vector.extract %slice3A_110[0] : f32 from vector<1xf32>
    %add3A_112 = arith.addf %add3A_109, %squeeze3A_111 : f32
    %slice3A_113 = vector.extract_strided_slice %add3A {offsets = [6], sizes = [1], strides = [1]} : vector<16xf32> to vector<1xf32>
    %squeeze3A_114 = vector.extract %slice3A_113[0] : f32 from vector<1xf32>
    %add3A_115 = arith.addf %add3A_112, %squeeze3A_114 : f32
    %slice3A_116 = vector.extract_strided_slice %add3A {offsets = [7], sizes = [1], strides = [1]} : vector<16xf32> to vector<1xf32>
    %squeeze3A_117 = vector.extract %slice3A_116[0] : f32 from vector<1xf32>
    %add3A_118 = arith.addf %add3A_115, %squeeze3A_117 : f32
    %slice3A_119 = vector.extract_strided_slice %add3A {offsets = [8], sizes = [1], strides = [1]} : vector<16xf32> to vector<1xf32>
    %squeeze3A_120 = vector.extract %slice3A_119[0] : f32 from vector<1xf32>
    %add3A_121 = arith.addf %add3A_118, %squeeze3A_120 : f32
    %slice3A_122 = vector.extract_strided_slice %add3A {offsets = [9], sizes = [1], strides = [1]} : vector<16xf32> to vector<1xf32>
    %squeeze3A_123 = vector.extract %slice3A_122[0] : f32 from vector<1xf32>
    %add3A_124 = arith.addf %add3A_121, %squeeze3A_123 : f32
    %slice3A_125 = vector.extract_strided_slice %add3A {offsets = [10], sizes = [1], strides = [1]} : vector<16xf32> to vector<1xf32>
    %squeeze3A_126 = vector.extract %slice3A_125[0] : f32 from vector<1xf32>
    %add3A_127 = arith.addf %add3A_124, %squeeze3A_126 : f32
    %slice3A_128 = vector.extract_strided_slice %add3A {offsets = [11], sizes = [1], strides = [1]} : vector<16xf32> to vector<1xf32>
    %squeeze3A_129 = vector.extract %slice3A_128[0] : f32 from vector<1xf32>
    %add3A_130 = arith.addf %add3A_127, %squeeze3A_129 : f32
    %slice3A_131 = vector.extract_strided_slice %add3A {offsets = [12], sizes = [1], strides = [1]} : vector<16xf32> to vector<1xf32>
    %squeeze3A_132 = vector.extract %slice3A_131[0] : f32 from vector<1xf32>
    %add3A_133 = arith.addf %add3A_130, %squeeze3A_132 : f32
    %slice3A_134 = vector.extract_strided_slice %add3A {offsets = [13], sizes = [1], strides = [1]} : vector<16xf32> to vector<1xf32>
    %squeeze3A_135 = vector.extract %slice3A_134[0] : f32 from vector<1xf32>
    %add3A_136 = arith.addf %add3A_133, %squeeze3A_135 : f32
    %slice3A_137 = vector.extract_strided_slice %add3A {offsets = [14], sizes = [1], strides = [1]} : vector<16xf32> to vector<1xf32>
    %squeeze3A_138 = vector.extract %slice3A_137[0] : f32 from vector<1xf32>
    %add3A_139 = arith.addf %add3A_136, %squeeze3A_138 : f32
    %slice3A_140 = vector.extract_strided_slice %add3A {offsets = [15], sizes = [1], strides = [1]} : vector<16xf32> to vector<1xf32>
    %squeeze3A_141 = vector.extract %slice3A_140[0] : f32 from vector<1xf32>
    %add3A_142 = arith.addf %add3A_139, %squeeze3A_141 : f32
    %add3A_143 = arith.addf %parallel_loop3A_5#4, %parallel_loop3A_5#5 : vector<16xf32>
    %slice3A_144 = vector.extract_strided_slice %add3A_143 {offsets = [0], sizes = [1], strides = [1]} : vector<16xf32> to vector<1xf32>
    %squeeze3A_145 = vector.extract %slice3A_144[0] : f32 from vector<1xf32>
    %slice3A_146 = vector.extract_strided_slice %add3A_143 {offsets = [1], sizes = [1], strides = [1]} : vector<16xf32> to vector<1xf32>
    %squeeze3A_147 = vector.extract %slice3A_146[0] : f32 from vector<1xf32>
    %add3A_148 = arith.addf %squeeze3A_145, %squeeze3A_147 : f32
    %slice3A_149 = vector.extract_strided_slice %add3A_143 {offsets = [2], sizes = [1], strides = [1]} : vector<16xf32> to vector<1xf32>
    %squeeze3A_150 = vector.extract %slice3A_149[0] : f32 from vector<1xf32>
    %add3A_151 = arith.addf %add3A_148, %squeeze3A_150 : f32
    %slice3A_152 = vector.extract_strided_slice %add3A_143 {offsets = [3], sizes = [1], strides = [1]} : vector<16xf32> to vector<1xf32>
    %squeeze3A_153 = vector.extract %slice3A_152[0] : f32 from vector<1xf32>
    %add3A_154 = arith.addf %add3A_151, %squeeze3A_153 : f32
    %slice3A_155 = vector.extract_strided_slice %add3A_143 {offsets = [4], sizes = [1], strides = [1]} : vector<16xf32> to vector<1xf32>
    %squeeze3A_156 = vector.extract %slice3A_155[0] : f32 from vector<1xf32>
    %add3A_157 = arith.addf %add3A_154, %squeeze3A_156 : f32
    %slice3A_158 = vector.extract_strided_slice %add3A_143 {offsets = [5], sizes = [1], strides = [1]} : vector<16xf32> to vector<1xf32>
    %squeeze3A_159 = vector.extract %slice3A_158[0] : f32 from vector<1xf32>
    %add3A_160 = arith.addf %add3A_157, %squeeze3A_159 : f32
    %slice3A_161 = vector.extract_strided_slice %add3A_143 {offsets = [6], sizes = [1], strides = [1]} : vector<16xf32> to vector<1xf32>
    %squeeze3A_162 = vector.extract %slice3A_161[0] : f32 from vector<1xf32>
    %add3A_163 = arith.addf %add3A_160, %squeeze3A_162 : f32
    %slice3A_164 = vector.extract_strided_slice %add3A_143 {offsets = [7], sizes = [1], strides = [1]} : vector<16xf32> to vector<1xf32>
    %squeeze3A_165 = vector.extract %slice3A_164[0] : f32 from vector<1xf32>
    %add3A_166 = arith.addf %add3A_163, %squeeze3A_165 : f32
    %slice3A_167 = vector.extract_strided_slice %add3A_143 {offsets = [8], sizes = [1], strides = [1]} : vector<16xf32> to vector<1xf32>
    %squeeze3A_168 = vector.extract %slice3A_167[0] : f32 from vector<1xf32>
    %add3A_169 = arith.addf %add3A_166, %squeeze3A_168 : f32
    %slice3A_170 = vector.extract_strided_slice %add3A_143 {offsets = [9], sizes = [1], strides = [1]} : vector<16xf32> to vector<1xf32>
    %squeeze3A_171 = vector.extract %slice3A_170[0] : f32 from vector<1xf32>
    %add3A_172 = arith.addf %add3A_169, %squeeze3A_171 : f32
    %slice3A_173 = vector.extract_strided_slice %add3A_143 {offsets = [10], sizes = [1], strides = [1]} : vector<16xf32> to vector<1xf32>
    %squeeze3A_174 = vector.extract %slice3A_173[0] : f32 from vector<1xf32>
    %add3A_175 = arith.addf %add3A_172, %squeeze3A_174 : f32
    %slice3A_176 = vector.extract_strided_slice %add3A_143 {offsets = [11], sizes = [1], strides = [1]} : vector<16xf32> to vector<1xf32>
    %squeeze3A_177 = vector.extract %slice3A_176[0] : f32 from vector<1xf32>
    %add3A_178 = arith.addf %add3A_175, %squeeze3A_177 : f32
    %slice3A_179 = vector.extract_strided_slice %add3A_143 {offsets = [12], sizes = [1], strides = [1]} : vector<16xf32> to vector<1xf32>
    %squeeze3A_180 = vector.extract %slice3A_179[0] : f32 from vector<1xf32>
    %add3A_181 = arith.addf %add3A_178, %squeeze3A_180 : f32
    %slice3A_182 = vector.extract_strided_slice %add3A_143 {offsets = [13], sizes = [1], strides = [1]} : vector<16xf32> to vector<1xf32>
    %squeeze3A_183 = vector.extract %slice3A_182[0] : f32 from vector<1xf32>
    %add3A_184 = arith.addf %add3A_181, %squeeze3A_183 : f32
    %slice3A_185 = vector.extract_strided_slice %add3A_143 {offsets = [14], sizes = [1], strides = [1]} : vector<16xf32> to vector<1xf32>
    %squeeze3A_186 = vector.extract %slice3A_185[0] : f32 from vector<1xf32>
    %add3A_187 = arith.addf %add3A_184, %squeeze3A_186 : f32
    %slice3A_188 = vector.extract_strided_slice %add3A_143 {offsets = [15], sizes = [1], strides = [1]} : vector<16xf32> to vector<1xf32>
    %squeeze3A_189 = vector.extract %slice3A_188[0] : f32 from vector<1xf32>
    %add3A_190 = arith.addf %add3A_187, %squeeze3A_189 : f32
    %broadcast_in_dim3A_191 = vector.broadcast %add3A_142 : f32 to vector<16xf32>
    %broadcast_in_dim3A_192 = vector.broadcast %add3A_190 : f32 to vector<16xf32>
    %div3A = arith.constant 6.400000e+01 : f32
    %div3A_193 = vector.broadcast %div3A : f32 to vector<16xf32>
    %div3A_194 = arith.divf %div3A_193, %broadcast_in_dim3A_191 : vector<16xf32>
    %mul3A = arith.mulf %div3A_194, %broadcast_in_dim3A_191 : vector<16xf32>
    %mul3A_195 = arith.mulf %div3A_194, %div3A_194 : vector<16xf32>
    %mul3A_196 = arith.mulf %mul3A_195, %broadcast_in_dim3A_192 : vector<16xf32>
    %sub3A = arith.subf %mul3A, %mul3A_196 : vector<16xf32>
    %sub3A_197 = arith.constant 6.400000e+01 : f32
    %sub3A_198 = vector.broadcast %sub3A_197 : f32 to vector<16xf32>
    %sub3A_199 = arith.subf %sub3A, %sub3A_198 : vector<16xf32>
    %mul3A_200 = arith.constant 2.000000e+00 : f32
    %mul3A_201 = vector.broadcast %mul3A_200 : f32 to vector<16xf32>
    %mul3A_202 = arith.mulf %mul3A_201, %div3A_194 : vector<16xf32>
    %mul3A_203 = arith.mulf %mul3A_202, %broadcast_in_dim3A_192 : vector<16xf32>
    %sub3A_204 = arith.subf %broadcast_in_dim3A_191, %mul3A_203 : vector<16xf32>
    %mul3A_205 = arith.constant 2.500000e-01 : f32
    %mul3A_206 = vector.broadcast %mul3A_205 : f32 to vector<16xf32>
    %mul3A_207 = arith.mulf %broadcast_in_dim3A_191, %mul3A_206 : vector<16xf32>
    %max3A_208 = arith.maximumf %sub3A_204, %mul3A_207 : vector<16xf32>
    %div3A_209 = arith.divf %sub3A_199, %max3A_208 : vector<16xf32>
    %sub3A_210 = arith.subf %div3A_194, %div3A_209 : vector<16xf32>
    %max3A_211 = arith.maximumf %sub3A_210, %div3A_194 : vector<16xf32>
    %mul3A_212 = arith.constant 2.000000e+00 : f32
    %mul3A_213 = vector.broadcast %mul3A_212 : f32 to vector<16xf32>
    %mul3A_214 = arith.mulf %mul3A_213, %div3A_194 : vector<16xf32>
    %min3A_215 = arith.minimumf %max3A_211, %mul3A_214 : vector<16xf32>
    %mul3A_216 = arith.mulf %min3A_215, %broadcast_in_dim3A_191 : vector<16xf32>
    %mul3A_217 = arith.mulf %min3A_215, %min3A_215 : vector<16xf32>
    %mul3A_218 = arith.mulf %mul3A_217, %broadcast_in_dim3A_192 : vector<16xf32>
    %sub3A_219 = arith.subf %mul3A_216, %mul3A_218 : vector<16xf32>
    %sub3A_220 = arith.constant 6.400000e+01 : f32
    %sub3A_221 = vector.broadcast %sub3A_220 : f32 to vector<16xf32>
    %sub3A_222 = arith.subf %sub3A_219, %sub3A_221 : vector<16xf32>
    %mul3A_223 = arith.constant 2.000000e+00 : f32
    %mul3A_224 = vector.broadcast %mul3A_223 : f32 to vector<16xf32>
    %mul3A_225 = arith.mulf %mul3A_224, %min3A_215 : vector<16xf32>
    %mul3A_226 = arith.mulf %mul3A_225, %broadcast_in_dim3A_192 : vector<16xf32>
    %sub3A_227 = arith.subf %broadcast_in_dim3A_191, %mul3A_226 : vector<16xf32>
    %mul3A_228 = arith.constant 2.500000e-01 : f32
    %mul3A_229 = vector.broadcast %mul3A_228 : f32 to vector<16xf32>
    %mul3A_230 = arith.mulf %broadcast_in_dim3A_191, %mul3A_229 : vector<16xf32>
    %max3A_231 = arith.maximumf %sub3A_227, %mul3A_230 : vector<16xf32>
    %div3A_232 = arith.divf %sub3A_222, %max3A_231 : vector<16xf32>
    %sub3A_233 = arith.subf %min3A_215, %div3A_232 : vector<16xf32>
    %max3A_234 = arith.maximumf %sub3A_233, %div3A_194 : vector<16xf32>
    %mul3A_235 = arith.constant 2.000000e+00 : f32
    %mul3A_236 = vector.broadcast %mul3A_235 : f32 to vector<16xf32>
    %mul3A_237 = arith.mulf %mul3A_236, %div3A_194 : vector<16xf32>
    %min3A_238 = arith.minimumf %max3A_234, %mul3A_237 : vector<16xf32>
    %mul3A_239 = arith.mulf %min3A_238, %broadcast_in_dim3A_191 : vector<16xf32>
    %mul3A_240 = arith.mulf %min3A_238, %min3A_238 : vector<16xf32>
    %mul3A_241 = arith.mulf %mul3A_240, %broadcast_in_dim3A_192 : vector<16xf32>
    %sub3A_242 = arith.subf %mul3A_239, %mul3A_241 : vector<16xf32>
    %sub3A_243 = arith.constant 6.400000e+01 : f32
    %sub3A_244 = vector.broadcast %sub3A_243 : f32 to vector<16xf32>
    %sub3A_245 = arith.subf %sub3A_242, %sub3A_244 : vector<16xf32>
    %mul3A_246 = arith.constant 2.000000e+00 : f32
    %mul3A_247 = vector.broadcast %mul3A_246 : f32 to vector<16xf32>
    %mul3A_248 = arith.mulf %mul3A_247, %min3A_238 : vector<16xf32>
    %mul3A_249 = arith.mulf %mul3A_248, %broadcast_in_dim3A_192 : vector<16xf32>
    %sub3A_250 = arith.subf %broadcast_in_dim3A_191, %mul3A_249 : vector<16xf32>
    %mul3A_251 = arith.constant 2.500000e-01 : f32
    %mul3A_252 = vector.broadcast %mul3A_251 : f32 to vector<16xf32>
    %mul3A_253 = arith.mulf %broadcast_in_dim3A_191, %mul3A_252 : vector<16xf32>
    %max3A_254 = arith.maximumf %sub3A_250, %mul3A_253 : vector<16xf32>
    %div3A_255 = arith.divf %sub3A_245, %max3A_254 : vector<16xf32>
    %sub3A_256 = arith.subf %min3A_238, %div3A_255 : vector<16xf32>
    %max3A_257 = arith.maximumf %sub3A_256, %div3A_194 : vector<16xf32>
    %mul3A_258 = arith.constant 2.000000e+00 : f32
    %mul3A_259 = vector.broadcast %mul3A_258 : f32 to vector<16xf32>
    %mul3A_260 = arith.mulf %mul3A_259, %div3A_194 : vector<16xf32>
    %min3A_261 = arith.minimumf %max3A_257, %mul3A_260 : vector<16xf32>
    %mul3A_262 = arith.mulf %min3A_261, %broadcast_in_dim3A_191 : vector<16xf32>
    %mul3A_263 = arith.mulf %min3A_261, %min3A_261 : vector<16xf32>
    %mul3A_264 = arith.mulf %mul3A_263, %broadcast_in_dim3A_192 : vector<16xf32>
    %sub3A_265 = arith.subf %mul3A_262, %mul3A_264 : vector<16xf32>
    %sub3A_266 = arith.constant 6.400000e+01 : f32
    %sub3A_267 = vector.broadcast %sub3A_266 : f32 to vector<16xf32>
    %sub3A_268 = arith.subf %sub3A_265, %sub3A_267 : vector<16xf32>
    %mul3A_269 = arith.constant 2.000000e+00 : f32
    %mul3A_270 = vector.broadcast %mul3A_269 : f32 to vector<16xf32>
    %mul3A_271 = arith.mulf %mul3A_270, %min3A_261 : vector<16xf32>
    %mul3A_272 = arith.mulf %mul3A_271, %broadcast_in_dim3A_192 : vector<16xf32>
    %sub3A_273 = arith.subf %broadcast_in_dim3A_191, %mul3A_272 : vector<16xf32>
    %mul3A_274 = arith.constant 2.500000e-01 : f32
    %mul3A_275 = vector.broadcast %mul3A_274 : f32 to vector<16xf32>
    %mul3A_276 = arith.mulf %broadcast_in_dim3A_191, %mul3A_275 : vector<16xf32>
    %max3A_277 = arith.maximumf %sub3A_273, %mul3A_276 : vector<16xf32>
    %div3A_278 = arith.divf %sub3A_268, %max3A_277 : vector<16xf32>
    %sub3A_279 = arith.subf %min3A_261, %div3A_278 : vector<16xf32>
    %max3A_280 = arith.maximumf %sub3A_279, %div3A_194 : vector<16xf32>
    %mul3A_281 = arith.constant 2.000000e+00 : f32
    %mul3A_282 = vector.broadcast %mul3A_281 : f32 to vector<16xf32>
    %mul3A_283 = arith.mulf %mul3A_282, %div3A_194 : vector<16xf32>
    %min3A_284 = arith.minimumf %max3A_280, %mul3A_283 : vector<16xf32>
    %broadcast_in_dim3A_285 = arith.constant 1.700000e+01 : f32
    %broadcast_in_dim3A_286 = vector.broadcast %broadcast_in_dim3A_285 : f32 to vector<16xf32>
    %sub3A_287 = vector.broadcast %max3A_95 : f32 to vector<16xf32>
    %sub3A_288 = arith.subf %broadcast_in_dim3A_286, %sub3A_287 : vector<16xf32>
    %sub3A_289 = arith.constant 1.000000e+00 : f32
    %sub3A_290 = vector.broadcast %sub3A_289 : f32 to vector<16xf32>
    %sub3A_291 = arith.subf %sub3A_288, %sub3A_290 : vector<16xf32>
    %neg3A = arith.constant 0.000000e+00 : f32
    %neg3A_292 = vector.broadcast %neg3A : f32 to vector<16xf32>
    %neg3A_293 = arith.subf %neg3A_292, %sub3A_288 : vector<16xf32>
    %exp3A = math.exp %neg3A_293 : vector<16xf32>
    %mul3A_294 = arith.mulf %min3A_284, %exp3A : vector<16xf32>
    %add3A_295 = arith.addf %sub3A_291, %mul3A_294 : vector<16xf32>
    %sub3A_296 = arith.constant 1.000000e+00 : f32
    %sub3A_297 = vector.broadcast %sub3A_296 : f32 to vector<16xf32>
    %sub3A_298 = arith.subf %add3A_295, %sub3A_297 : vector<16xf32>
    %neg3A_299 = arith.constant 0.000000e+00 : f32
    %neg3A_300 = vector.broadcast %neg3A_299 : f32 to vector<16xf32>
    %neg3A_301 = arith.subf %neg3A_300, %add3A_295 : vector<16xf32>
    %exp3A_302 = math.exp %neg3A_301 : vector<16xf32>
    %mul3A_303 = arith.mulf %min3A_284, %exp3A_302 : vector<16xf32>
    %add3A_304 = arith.addf %sub3A_298, %mul3A_303 : vector<16xf32>
    %sub3A_305 = arith.constant 1.000000e+00 : f32
    %sub3A_306 = vector.broadcast %sub3A_305 : f32 to vector<16xf32>
    %sub3A_307 = arith.subf %add3A_304, %sub3A_306 : vector<16xf32>
    %neg3A_308 = arith.constant 0.000000e+00 : f32
    %neg3A_309 = vector.broadcast %neg3A_308 : f32 to vector<16xf32>
    %neg3A_310 = arith.subf %neg3A_309, %add3A_304 : vector<16xf32>
    %exp3A_311 = math.exp %neg3A_310 : vector<16xf32>
    %mul3A_312 = arith.mulf %min3A_284, %exp3A_311 : vector<16xf32>
    %add3A_313 = arith.addf %sub3A_307, %mul3A_312 : vector<16xf32>
    %sub3A_314 = arith.constant 1.000000e+00 : f32
    %sub3A_315 = vector.broadcast %sub3A_314 : f32 to vector<16xf32>
    %sub3A_316 = arith.subf %add3A_313, %sub3A_315 : vector<16xf32>
    %neg3A_317 = arith.constant 0.000000e+00 : f32
    %neg3A_318 = vector.broadcast %neg3A_317 : f32 to vector<16xf32>
    %neg3A_319 = arith.subf %neg3A_318, %add3A_313 : vector<16xf32>
    %exp3A_320 = math.exp %neg3A_319 : vector<16xf32>
    %mul3A_321 = arith.mulf %min3A_284, %exp3A_320 : vector<16xf32>
    %add3A_322 = arith.addf %sub3A_316, %mul3A_321 : vector<16xf32>
    %sub3A_323 = arith.constant 1.000000e+00 : f32
    %sub3A_324 = vector.broadcast %sub3A_323 : f32 to vector<16xf32>
    %sub3A_325 = arith.subf %add3A_322, %sub3A_324 : vector<16xf32>
    %neg3A_326 = arith.constant 0.000000e+00 : f32
    %neg3A_327 = vector.broadcast %neg3A_326 : f32 to vector<16xf32>
    %neg3A_328 = arith.subf %neg3A_327, %add3A_322 : vector<16xf32>
    %exp3A_329 = math.exp %neg3A_328 : vector<16xf32>
    %mul3A_330 = arith.mulf %min3A_284, %exp3A_329 : vector<16xf32>
    %add3A_331 = arith.addf %sub3A_325, %mul3A_330 : vector<16xf32>
    %sub3A_332 = arith.constant 1.000000e+00 : f32
    %sub3A_333 = vector.broadcast %sub3A_332 : f32 to vector<16xf32>
    %sub3A_334 = arith.subf %add3A_331, %sub3A_333 : vector<16xf32>
    %neg3A_335 = arith.constant 0.000000e+00 : f32
    %neg3A_336 = vector.broadcast %neg3A_335 : f32 to vector<16xf32>
    %neg3A_337 = arith.subf %neg3A_336, %add3A_331 : vector<16xf32>
    %exp3A_338 = math.exp %neg3A_337 : vector<16xf32>
    %mul3A_339 = arith.mulf %min3A_284, %exp3A_338 : vector<16xf32>
    %add3A_340 = arith.addf %sub3A_334, %mul3A_339 : vector<16xf32>
    %sub3A_341 = arith.constant 1.000000e+00 : f32
    %sub3A_342 = vector.broadcast %sub3A_341 : f32 to vector<16xf32>
    %sub3A_343 = arith.subf %add3A_340, %sub3A_342 : vector<16xf32>
    %neg3A_344 = arith.constant 0.000000e+00 : f32
    %neg3A_345 = vector.broadcast %neg3A_344 : f32 to vector<16xf32>
    %neg3A_346 = arith.subf %neg3A_345, %add3A_340 : vector<16xf32>
    %exp3A_347 = math.exp %neg3A_346 : vector<16xf32>
    %mul3A_348 = arith.mulf %min3A_284, %exp3A_347 : vector<16xf32>
    %add3A_349 = arith.addf %sub3A_343, %mul3A_348 : vector<16xf32>
    %sub3A_350 = arith.constant 1.000000e+00 : f32
    %sub3A_351 = vector.broadcast %sub3A_350 : f32 to vector<16xf32>
    %sub3A_352 = arith.subf %add3A_349, %sub3A_351 : vector<16xf32>
    %neg3A_353 = arith.constant 0.000000e+00 : f32
    %neg3A_354 = vector.broadcast %neg3A_353 : f32 to vector<16xf32>
    %neg3A_355 = arith.subf %neg3A_354, %add3A_349 : vector<16xf32>
    %exp3A_356 = math.exp %neg3A_355 : vector<16xf32>
    %mul3A_357 = arith.mulf %min3A_284, %exp3A_356 : vector<16xf32>
    %add3A_358 = arith.addf %sub3A_352, %mul3A_357 : vector<16xf32>
    %sub3A_359 = arith.constant 1.000000e+00 : f32
    %sub3A_360 = vector.broadcast %sub3A_359 : f32 to vector<16xf32>
    %sub3A_361 = arith.subf %add3A_358, %sub3A_360 : vector<16xf32>
    %neg3A_362 = arith.constant 0.000000e+00 : f32
    %neg3A_363 = vector.broadcast %neg3A_362 : f32 to vector<16xf32>
    %neg3A_364 = arith.subf %neg3A_363, %add3A_358 : vector<16xf32>
    %exp3A_365 = math.exp %neg3A_364 : vector<16xf32>
    %mul3A_366 = arith.mulf %min3A_284, %exp3A_365 : vector<16xf32>
    %add3A_367 = arith.addf %sub3A_361, %mul3A_366 : vector<16xf32>
    %sub3A_368 = arith.constant 1.000000e+00 : f32
    %sub3A_369 = vector.broadcast %sub3A_368 : f32 to vector<16xf32>
    %sub3A_370 = arith.subf %add3A_367, %sub3A_369 : vector<16xf32>
    %neg3A_371 = arith.constant 0.000000e+00 : f32
    %neg3A_372 = vector.broadcast %neg3A_371 : f32 to vector<16xf32>
    %neg3A_373 = arith.subf %neg3A_372, %add3A_367 : vector<16xf32>
    %exp3A_374 = math.exp %neg3A_373 : vector<16xf32>
    %mul3A_375 = arith.mulf %min3A_284, %exp3A_374 : vector<16xf32>
    %add3A_376 = arith.addf %sub3A_370, %mul3A_375 : vector<16xf32>
    %sub3A_377 = arith.constant 1.000000e+00 : f32
    %sub3A_378 = vector.broadcast %sub3A_377 : f32 to vector<16xf32>
    %sub3A_379 = arith.subf %add3A_376, %sub3A_378 : vector<16xf32>
    %neg3A_380 = arith.constant 0.000000e+00 : f32
    %neg3A_381 = vector.broadcast %neg3A_380 : f32 to vector<16xf32>
    %neg3A_382 = arith.subf %neg3A_381, %add3A_376 : vector<16xf32>
    %exp3A_383 = math.exp %neg3A_382 : vector<16xf32>
    %mul3A_384 = arith.mulf %min3A_284, %exp3A_383 : vector<16xf32>
    %add3A_385 = arith.addf %sub3A_379, %mul3A_384 : vector<16xf32>
    %sub3A_386 = arith.constant 1.000000e+00 : f32
    %sub3A_387 = vector.broadcast %sub3A_386 : f32 to vector<16xf32>
    %sub3A_388 = arith.subf %add3A_385, %sub3A_387 : vector<16xf32>
    %neg3A_389 = arith.constant 0.000000e+00 : f32
    %neg3A_390 = vector.broadcast %neg3A_389 : f32 to vector<16xf32>
    %neg3A_391 = arith.subf %neg3A_390, %add3A_385 : vector<16xf32>
    %exp3A_392 = math.exp %neg3A_391 : vector<16xf32>
    %mul3A_393 = arith.mulf %min3A_284, %exp3A_392 : vector<16xf32>
    %add3A_394 = arith.addf %sub3A_388, %mul3A_393 : vector<16xf32>
    %sub3A_395 = arith.constant 1.000000e+00 : f32
    %sub3A_396 = vector.broadcast %sub3A_395 : f32 to vector<16xf32>
    %sub3A_397 = arith.subf %add3A_394, %sub3A_396 : vector<16xf32>
    %neg3A_398 = arith.constant 0.000000e+00 : f32
    %neg3A_399 = vector.broadcast %neg3A_398 : f32 to vector<16xf32>
    %neg3A_400 = arith.subf %neg3A_399, %add3A_394 : vector<16xf32>
    %exp3A_401 = math.exp %neg3A_400 : vector<16xf32>
    %mul3A_402 = arith.mulf %min3A_284, %exp3A_401 : vector<16xf32>
    %add3A_403 = arith.addf %sub3A_397, %mul3A_402 : vector<16xf32>
    %sub3A_404 = arith.constant 1.000000e+00 : f32
    %sub3A_405 = vector.broadcast %sub3A_404 : f32 to vector<16xf32>
    %sub3A_406 = arith.subf %add3A_403, %sub3A_405 : vector<16xf32>
    %neg3A_407 = arith.constant 0.000000e+00 : f32
    %neg3A_408 = vector.broadcast %neg3A_407 : f32 to vector<16xf32>
    %neg3A_409 = arith.subf %neg3A_408, %add3A_403 : vector<16xf32>
    %exp3A_410 = math.exp %neg3A_409 : vector<16xf32>
    %mul3A_411 = arith.mulf %min3A_284, %exp3A_410 : vector<16xf32>
    %add3A_412 = arith.addf %sub3A_406, %mul3A_411 : vector<16xf32>
    %sub3A_413 = arith.constant 1.000000e+00 : f32
    %sub3A_414 = vector.broadcast %sub3A_413 : f32 to vector<16xf32>
    %sub3A_415 = arith.subf %add3A_412, %sub3A_414 : vector<16xf32>
    %neg3A_416 = arith.constant 0.000000e+00 : f32
    %neg3A_417 = vector.broadcast %neg3A_416 : f32 to vector<16xf32>
    %neg3A_418 = arith.subf %neg3A_417, %add3A_412 : vector<16xf32>
    %exp3A_419 = math.exp %neg3A_418 : vector<16xf32>
    %mul3A_420 = arith.mulf %min3A_284, %exp3A_419 : vector<16xf32>
    %add3A_421 = arith.addf %sub3A_415, %mul3A_420 : vector<16xf32>
    %sub3A_422 = arith.constant 1.000000e+00 : f32
    %sub3A_423 = vector.broadcast %sub3A_422 : f32 to vector<16xf32>
    %sub3A_424 = arith.subf %add3A_421, %sub3A_423 : vector<16xf32>
    %neg3A_425 = arith.constant 0.000000e+00 : f32
    %neg3A_426 = vector.broadcast %neg3A_425 : f32 to vector<16xf32>
    %neg3A_427 = arith.subf %neg3A_426, %add3A_421 : vector<16xf32>
    %exp3A_428 = math.exp %neg3A_427 : vector<16xf32>
    %mul3A_429 = arith.mulf %min3A_284, %exp3A_428 : vector<16xf32>
    %add3A_430 = arith.addf %sub3A_424, %mul3A_429 : vector<16xf32>
    %sub3A_431 = arith.constant 1.000000e+00 : f32
    %sub3A_432 = vector.broadcast %sub3A_431 : f32 to vector<16xf32>
    %sub3A_433 = arith.subf %add3A_430, %sub3A_432 : vector<16xf32>
    %neg3A_434 = arith.constant 0.000000e+00 : f32
    %neg3A_435 = vector.broadcast %neg3A_434 : f32 to vector<16xf32>
    %neg3A_436 = arith.subf %neg3A_435, %add3A_430 : vector<16xf32>
    %exp3A_437 = math.exp %neg3A_436 : vector<16xf32>
    %mul3A_438 = arith.mulf %min3A_284, %exp3A_437 : vector<16xf32>
    %add3A_439 = arith.addf %sub3A_433, %mul3A_438 : vector<16xf32>
    %sub3A_440 = arith.constant 1.000000e+00 : f32
    %sub3A_441 = vector.broadcast %sub3A_440 : f32 to vector<16xf32>
    %sub3A_442 = arith.subf %add3A_439, %sub3A_441 : vector<16xf32>
    %neg3A_443 = arith.constant 0.000000e+00 : f32
    %neg3A_444 = vector.broadcast %neg3A_443 : f32 to vector<16xf32>
    %neg3A_445 = arith.subf %neg3A_444, %add3A_439 : vector<16xf32>
    %exp3A_446 = math.exp %neg3A_445 : vector<16xf32>
    %mul3A_447 = arith.mulf %min3A_284, %exp3A_446 : vector<16xf32>
    %add3A_448 = arith.addf %sub3A_442, %mul3A_447 : vector<16xf32>
    %sub3A_449 = arith.constant 1.000000e+00 : f32
    %sub3A_450 = vector.broadcast %sub3A_449 : f32 to vector<16xf32>
    %sub3A_451 = arith.subf %add3A_448, %sub3A_450 : vector<16xf32>
    %neg3A_452 = arith.constant 0.000000e+00 : f32
    %neg3A_453 = vector.broadcast %neg3A_452 : f32 to vector<16xf32>
    %neg3A_454 = arith.subf %neg3A_453, %add3A_448 : vector<16xf32>
    %exp3A_455 = math.exp %neg3A_454 : vector<16xf32>
    %mul3A_456 = arith.mulf %min3A_284, %exp3A_455 : vector<16xf32>
    %add3A_457 = arith.addf %sub3A_451, %mul3A_456 : vector<16xf32>
    %sub3A_458 = arith.constant 1.000000e+00 : f32
    %sub3A_459 = vector.broadcast %sub3A_458 : f32 to vector<16xf32>
    %sub3A_460 = arith.subf %add3A_457, %sub3A_459 : vector<16xf32>
    %neg3A_461 = arith.constant 0.000000e+00 : f32
    %neg3A_462 = vector.broadcast %neg3A_461 : f32 to vector<16xf32>
    %neg3A_463 = arith.subf %neg3A_462, %add3A_457 : vector<16xf32>
    %exp3A_464 = math.exp %neg3A_463 : vector<16xf32>
    %mul3A_465 = arith.mulf %min3A_284, %exp3A_464 : vector<16xf32>
    %add3A_466 = arith.addf %sub3A_460, %mul3A_465 : vector<16xf32>
    %sub3A_467 = arith.constant 1.000000e+00 : f32
    %sub3A_468 = vector.broadcast %sub3A_467 : f32 to vector<16xf32>
    %sub3A_469 = arith.subf %add3A_466, %sub3A_468 : vector<16xf32>
    %neg3A_470 = arith.constant 0.000000e+00 : f32
    %neg3A_471 = vector.broadcast %neg3A_470 : f32 to vector<16xf32>
    %neg3A_472 = arith.subf %neg3A_471, %add3A_466 : vector<16xf32>
    %exp3A_473 = math.exp %neg3A_472 : vector<16xf32>
    %mul3A_474 = arith.mulf %min3A_284, %exp3A_473 : vector<16xf32>
    %add3A_475 = arith.addf %sub3A_469, %mul3A_474 : vector<16xf32>
    %sub3A_476 = arith.constant 1.000000e+00 : f32
    %sub3A_477 = vector.broadcast %sub3A_476 : f32 to vector<16xf32>
    %sub3A_478 = arith.subf %add3A_475, %sub3A_477 : vector<16xf32>
    %neg3A_479 = arith.constant 0.000000e+00 : f32
    %neg3A_480 = vector.broadcast %neg3A_479 : f32 to vector<16xf32>
    %neg3A_481 = arith.subf %neg3A_480, %add3A_475 : vector<16xf32>
    %exp3A_482 = math.exp %neg3A_481 : vector<16xf32>
    %mul3A_483 = arith.mulf %min3A_284, %exp3A_482 : vector<16xf32>
    %add3A_484 = arith.addf %sub3A_478, %mul3A_483 : vector<16xf32>
    %sub3A_485 = arith.constant 1.000000e+00 : f32
    %sub3A_486 = vector.broadcast %sub3A_485 : f32 to vector<16xf32>
    %sub3A_487 = arith.subf %add3A_484, %sub3A_486 : vector<16xf32>
    %neg3A_488 = arith.constant 0.000000e+00 : f32
    %neg3A_489 = vector.broadcast %neg3A_488 : f32 to vector<16xf32>
    %neg3A_490 = arith.subf %neg3A_489, %add3A_484 : vector<16xf32>
    %exp3A_491 = math.exp %neg3A_490 : vector<16xf32>
    %mul3A_492 = arith.mulf %min3A_284, %exp3A_491 : vector<16xf32>
    %add3A_493 = arith.addf %sub3A_487, %mul3A_492 : vector<16xf32>
    %sub3A_494 = arith.constant 1.000000e+00 : f32
    %sub3A_495 = vector.broadcast %sub3A_494 : f32 to vector<16xf32>
    %sub3A_496 = arith.subf %add3A_493, %sub3A_495 : vector<16xf32>
    %neg3A_497 = arith.constant 0.000000e+00 : f32
    %neg3A_498 = vector.broadcast %neg3A_497 : f32 to vector<16xf32>
    %neg3A_499 = arith.subf %neg3A_498, %add3A_493 : vector<16xf32>
    %exp3A_500 = math.exp %neg3A_499 : vector<16xf32>
    %mul3A_501 = arith.mulf %min3A_284, %exp3A_500 : vector<16xf32>
    %add3A_502 = arith.addf %sub3A_496, %mul3A_501 : vector<16xf32>
    %sub3A_503 = arith.constant 1.000000e+00 : f32
    %sub3A_504 = vector.broadcast %sub3A_503 : f32 to vector<16xf32>
    %sub3A_505 = arith.subf %add3A_502, %sub3A_504 : vector<16xf32>
    %neg3A_506 = arith.constant 0.000000e+00 : f32
    %neg3A_507 = vector.broadcast %neg3A_506 : f32 to vector<16xf32>
    %neg3A_508 = arith.subf %neg3A_507, %add3A_502 : vector<16xf32>
    %exp3A_509 = math.exp %neg3A_508 : vector<16xf32>
    %mul3A_510 = arith.mulf %min3A_284, %exp3A_509 : vector<16xf32>
    %add3A_511 = arith.addf %sub3A_505, %mul3A_510 : vector<16xf32>
    %sub3A_512 = arith.constant 1.000000e+00 : f32
    %sub3A_513 = vector.broadcast %sub3A_512 : f32 to vector<16xf32>
    %sub3A_514 = arith.subf %add3A_511, %sub3A_513 : vector<16xf32>
    %neg3A_515 = arith.constant 0.000000e+00 : f32
    %neg3A_516 = vector.broadcast %neg3A_515 : f32 to vector<16xf32>
    %neg3A_517 = arith.subf %neg3A_516, %add3A_511 : vector<16xf32>
    %exp3A_518 = math.exp %neg3A_517 : vector<16xf32>
    %mul3A_519 = arith.mulf %min3A_284, %exp3A_518 : vector<16xf32>
    %add3A_520 = arith.addf %sub3A_514, %mul3A_519 : vector<16xf32>
    %sub3A_521 = arith.constant 1.200000e+01 : f32
    %sub3A_522 = vector.broadcast %sub3A_521 : f32 to vector<16xf32>
    %sub3A_523 = arith.subf %add3A_520, %sub3A_522 : vector<16xf32>
    %neg3A_524 = arith.constant 0.000000e+00 : f32
    %neg3A_525 = arith.subf %neg3A_524, %max3A_95 : f32
    %sub3A_526 = arith.constant 2.000000e+01 : f32
    %sub3A_527 = arith.subf %neg3A_525, %sub3A_526 : f32
    %broadcast_in_dim3A_528 = vector.broadcast %sub3A_527 : f32 to vector<16xf32>
    %neg3A_529 = arith.constant 0.000000e+00 : f32
    %neg3A_530 = arith.subf %neg3A_529, %min3A_49 : f32
    %add3A_531 = arith.constant 2.000000e+01 : f32
    %add3A_532 = arith.addf %neg3A_530, %add3A_531 : f32
    %broadcast_in_dim3A_533 = vector.broadcast %add3A_532 : f32 to vector<16xf32>
    %mul3A_534 = arith.mulf %min3A_284, %broadcast_in_dim3A_191 : vector<16xf32>
    %mul3A_535 = arith.constant 2.000000e+00 : f32
    %mul3A_536 = vector.broadcast %mul3A_535 : f32 to vector<16xf32>
    %mul3A_537 = arith.mulf %mul3A_536, %min3A_284 : vector<16xf32>
    %mul3A_538 = arith.mulf %mul3A_537, %min3A_284 : vector<16xf32>
    %mul3A_539 = arith.mulf %mul3A_538, %broadcast_in_dim3A_192 : vector<16xf32>
    %sub3A_540 = arith.subf %mul3A_534, %mul3A_539 : vector<16xf32>
    %max3A_541 = arith.constant 1.000000e-03 : f32
    %max3A_542 = vector.broadcast %max3A_541 : f32 to vector<16xf32>
    %max3A_543 = arith.maximumf %sub3A_540, %max3A_542 : vector<16xf32>
    %parallel_loop3A_544 = arith.constant 0 : i32
    %parallel_loop3A_545 = arith.constant 256 : i32
    %parallel_loop3A_546 = arith.constant 1 : i32
    %parallel_loop3A_547:4 = scf.for %parallel_loop3A_617 = %parallel_loop3A_544 to %parallel_loop3A_545 step %parallel_loop3A_546 iter_args(%parallel_loop3A_618 = %broadcast_in_dim3A_0, %parallel_loop3A_619 = %broadcast_in_dim3A_0, %parallel_loop3A_620 = %broadcast_in_dim3A_0, %parallel_loop3A_621 = %broadcast_in_dim3A_0) -> (vector<16xf32>, vector<16xf32>, vector<16xf32>, vector<16xf32>)  : i32 {
      %parallel_loop3A_622 = arith.constant 128 : i32
      %parallel_loop3A_623 = arith.muli %parallel_loop3A_617, %parallel_loop3A_622 : i32
      %parallel_loop3A_624 = arith.constant 0 : i32
      %parallel_loop3A_625 = arith.addi %parallel_loop3A_623, %parallel_loop3A_624 : i32
      %parallel_loop3A_626 = arith.index_cast %parallel_loop3A_625 : i32 to index
      %parallel_loop3A_627 = tpu.vector_load %arg4[%parallel_loop3A_626] {strides = array<i32>} : memref<32768xf32, #tpu.memory_space<vmem>>, vector<16xf32>,
      %parallel_loop3A_628 = vector.shape_cast %parallel_loop3A_627 : vector<16xf32> to vector<16xf32>
      %parallel_loop3A_629 = arith.addf %parallel_loop3A_628, %sub3A_523 : vector<16xf32>
      %parallel_loop3A_630 = arith.constant 0.000000e+00 : f32
      %parallel_loop3A_631 = vector.broadcast %parallel_loop3A_630 : f32 to vector<16xf32>
      %parallel_loop3A_632 = arith.subf %parallel_loop3A_631, %parallel_loop3A_629 : vector<16xf32>
      %parallel_loop3A_633 = math.exp %parallel_loop3A_632 : vector<16xf32>
      %parallel_loop3A_634 = arith.constant 1.000000e+00 : f32
      %parallel_loop3A_635 = vector.broadcast %parallel_loop3A_634 : f32 to vector<16xf32>
      %parallel_loop3A_636 = arith.addf %parallel_loop3A_635, %parallel_loop3A_633 : vector<16xf32>
      %parallel_loop3A_637 = arith.constant 1.000000e+00 : f32
      %parallel_loop3A_638 = vector.broadcast %parallel_loop3A_637 : f32 to vector<16xf32>
      %parallel_loop3A_639 = arith.divf %parallel_loop3A_638, %parallel_loop3A_636 : vector<16xf32>
      %parallel_loop3A_640 = arith.addf %parallel_loop3A_618, %parallel_loop3A_639 : vector<16xf32>
      %parallel_loop3A_641 = arith.constant 16 : i32
      %parallel_loop3A_642 = arith.addi %parallel_loop3A_623, %parallel_loop3A_641 : i32
      %parallel_loop3A_643 = arith.index_cast %parallel_loop3A_642 : i32 to index
      %parallel_loop3A_644 = tpu.vector_load %arg4[%parallel_loop3A_643] {strides = array<i32>} : memref<32768xf32, #tpu.memory_space<vmem>>, vector<16xf32>,
      %parallel_loop3A_645 = vector.shape_cast %parallel_loop3A_644 : vector<16xf32> to vector<16xf32>
      %parallel_loop3A_646 = arith.addf %parallel_loop3A_645, %sub3A_523 : vector<16xf32>
      %parallel_loop3A_647 = arith.constant 0.000000e+00 : f32
      %parallel_loop3A_648 = vector.broadcast %parallel_loop3A_647 : f32 to vector<16xf32>
      %parallel_loop3A_649 = arith.subf %parallel_loop3A_648, %parallel_loop3A_646 : vector<16xf32>
      %parallel_loop3A_650 = math.exp %parallel_loop3A_649 : vector<16xf32>
      %parallel_loop3A_651 = arith.constant 1.000000e+00 : f32
      %parallel_loop3A_652 = vector.broadcast %parallel_loop3A_651 : f32 to vector<16xf32>
      %parallel_loop3A_653 = arith.addf %parallel_loop3A_652, %parallel_loop3A_650 : vector<16xf32>
      %parallel_loop3A_654 = arith.constant 1.000000e+00 : f32
      %parallel_loop3A_655 = vector.broadcast %parallel_loop3A_654 : f32 to vector<16xf32>
      %parallel_loop3A_656 = arith.divf %parallel_loop3A_655, %parallel_loop3A_653 : vector<16xf32>
      %parallel_loop3A_657 = arith.addf %parallel_loop3A_619, %parallel_loop3A_656 : vector<16xf32>
      %parallel_loop3A_658 = arith.constant 32 : i32
      %parallel_loop3A_659 = arith.addi %parallel_loop3A_623, %parallel_loop3A_658 : i32
      %parallel_loop3A_660 = arith.index_cast %parallel_loop3A_659 : i32 to index
      %parallel_loop3A_661 = tpu.vector_load %arg4[%parallel_loop3A_660] {strides = array<i32>} : memref<32768xf32, #tpu.memory_space<vmem>>, vector<16xf32>,
      %parallel_loop3A_662 = vector.shape_cast %parallel_loop3A_661 : vector<16xf32> to vector<16xf32>
      %parallel_loop3A_663 = arith.addf %parallel_loop3A_662, %sub3A_523 : vector<16xf32>
      %parallel_loop3A_664 = arith.constant 0.000000e+00 : f32
      %parallel_loop3A_665 = vector.broadcast %parallel_loop3A_664 : f32 to vector<16xf32>
      %parallel_loop3A_666 = arith.subf %parallel_loop3A_665, %parallel_loop3A_663 : vector<16xf32>
      %parallel_loop3A_667 = math.exp %parallel_loop3A_666 : vector<16xf32>
      %parallel_loop3A_668 = arith.constant 1.000000e+00 : f32
      %parallel_loop3A_669 = vector.broadcast %parallel_loop3A_668 : f32 to vector<16xf32>
      %parallel_loop3A_670 = arith.addf %parallel_loop3A_669, %parallel_loop3A_667 : vector<16xf32>
      %parallel_loop3A_671 = arith.constant 1.000000e+00 : f32
      %parallel_loop3A_672 = vector.broadcast %parallel_loop3A_671 : f32 to vector<16xf32>
      %parallel_loop3A_673 = arith.divf %parallel_loop3A_672, %parallel_loop3A_670 : vector<16xf32>
      %parallel_loop3A_674 = arith.addf %parallel_loop3A_620, %parallel_loop3A_673 : vector<16xf32>
      %parallel_loop3A_675 = arith.constant 48 : i32
      %parallel_loop3A_676 = arith.addi %parallel_loop3A_623, %parallel_loop3A_675 : i32
      %parallel_loop3A_677 = arith.index_cast %parallel_loop3A_676 : i32 to index
      %parallel_loop3A_678 = tpu.vector_load %arg4[%parallel_loop3A_677] {strides = array<i32>} : memref<32768xf32, #tpu.memory_space<vmem>>, vector<16xf32>,
      %parallel_loop3A_679 = vector.shape_cast %parallel_loop3A_678 : vector<16xf32> to vector<16xf32>
      %parallel_loop3A_680 = arith.addf %parallel_loop3A_679, %sub3A_523 : vector<16xf32>
      %parallel_loop3A_681 = arith.constant 0.000000e+00 : f32
      %parallel_loop3A_682 = vector.broadcast %parallel_loop3A_681 : f32 to vector<16xf32>
      %parallel_loop3A_683 = arith.subf %parallel_loop3A_682, %parallel_loop3A_680 : vector<16xf32>
      %parallel_loop3A_684 = math.exp %parallel_loop3A_683 : vector<16xf32>
      %parallel_loop3A_685 = arith.constant 1.000000e+00 : f32
      %parallel_loop3A_686 = vector.broadcast %parallel_loop3A_685 : f32 to vector<16xf32>
      %parallel_loop3A_687 = arith.addf %parallel_loop3A_686, %parallel_loop3A_684 : vector<16xf32>
      %parallel_loop3A_688 = arith.constant 1.000000e+00 : f32
      %parallel_loop3A_689 = vector.broadcast %parallel_loop3A_688 : f32 to vector<16xf32>
      %parallel_loop3A_690 = arith.divf %parallel_loop3A_689, %parallel_loop3A_687 : vector<16xf32>
      %parallel_loop3A_691 = arith.addf %parallel_loop3A_621, %parallel_loop3A_690 : vector<16xf32>
      %parallel_loop3A_692 = arith.constant 64 : i32
      %parallel_loop3A_693 = arith.addi %parallel_loop3A_623, %parallel_loop3A_692 : i32
      %parallel_loop3A_694 = arith.index_cast %parallel_loop3A_693 : i32 to index
      %parallel_loop3A_695 = tpu.vector_load %arg4[%parallel_loop3A_694] {strides = array<i32>} : memref<32768xf32, #tpu.memory_space<vmem>>, vector<16xf32>,
      %parallel_loop3A_696 = vector.shape_cast %parallel_loop3A_695 : vector<16xf32> to vector<16xf32>
      %parallel_loop3A_697 = arith.addf %parallel_loop3A_696, %sub3A_523 : vector<16xf32>
      %parallel_loop3A_698 = arith.constant 0.000000e+00 : f32
      %parallel_loop3A_699 = vector.broadcast %parallel_loop3A_698 : f32 to vector<16xf32>
      %parallel_loop3A_700 = arith.subf %parallel_loop3A_699, %parallel_loop3A_697 : vector<16xf32>
      %parallel_loop3A_701 = math.exp %parallel_loop3A_700 : vector<16xf32>
      %parallel_loop3A_702 = arith.constant 1.000000e+00 : f32
      %parallel_loop3A_703 = vector.broadcast %parallel_loop3A_702 : f32 to vector<16xf32>
      %parallel_loop3A_704 = arith.addf %parallel_loop3A_703, %parallel_loop3A_701 : vector<16xf32>
      %parallel_loop3A_705 = arith.constant 1.000000e+00 : f32
      %parallel_loop3A_706 = vector.broadcast %parallel_loop3A_705 : f32 to vector<16xf32>
      %parallel_loop3A_707 = arith.divf %parallel_loop3A_706, %parallel_loop3A_704 : vector<16xf32>
      %parallel_loop3A_708 = arith.addf %parallel_loop3A_640, %parallel_loop3A_707 : vector<16xf32>
      %parallel_loop3A_709 = arith.constant 80 : i32
      %parallel_loop3A_710 = arith.addi %parallel_loop3A_623, %parallel_loop3A_709 : i32
      %parallel_loop3A_711 = arith.index_cast %parallel_loop3A_710 : i32 to index
      %parallel_loop3A_712 = tpu.vector_load %arg4[%parallel_loop3A_711] {strides = array<i32>} : memref<32768xf32, #tpu.memory_space<vmem>>, vector<16xf32>,
      %parallel_loop3A_713 = vector.shape_cast %parallel_loop3A_712 : vector<16xf32> to vector<16xf32>
      %parallel_loop3A_714 = arith.addf %parallel_loop3A_713, %sub3A_523 : vector<16xf32>
      %parallel_loop3A_715 = arith.constant 0.000000e+00 : f32
      %parallel_loop3A_716 = vector.broadcast %parallel_loop3A_715 : f32 to vector<16xf32>
      %parallel_loop3A_717 = arith.subf %parallel_loop3A_716, %parallel_loop3A_714 : vector<16xf32>
      %parallel_loop3A_718 = math.exp %parallel_loop3A_717 : vector<16xf32>
      %parallel_loop3A_719 = arith.constant 1.000000e+00 : f32
      %parallel_loop3A_720 = vector.broadcast %parallel_loop3A_719 : f32 to vector<16xf32>
      %parallel_loop3A_721 = arith.addf %parallel_loop3A_720, %parallel_loop3A_718 : vector<16xf32>
      %parallel_loop3A_722 = arith.constant 1.000000e+00 : f32
      %parallel_loop3A_723 = vector.broadcast %parallel_loop3A_722 : f32 to vector<16xf32>
      %parallel_loop3A_724 = arith.divf %parallel_loop3A_723, %parallel_loop3A_721 : vector<16xf32>
      %parallel_loop3A_725 = arith.addf %parallel_loop3A_657, %parallel_loop3A_724 : vector<16xf32>
      %parallel_loop3A_726 = arith.constant 96 : i32
      %parallel_loop3A_727 = arith.addi %parallel_loop3A_623, %parallel_loop3A_726 : i32
      %parallel_loop3A_728 = arith.index_cast %parallel_loop3A_727 : i32 to index
      %parallel_loop3A_729 = tpu.vector_load %arg4[%parallel_loop3A_728] {strides = array<i32>} : memref<32768xf32, #tpu.memory_space<vmem>>, vector<16xf32>,
      %parallel_loop3A_730 = vector.shape_cast %parallel_loop3A_729 : vector<16xf32> to vector<16xf32>
      %parallel_loop3A_731 = arith.addf %parallel_loop3A_730, %sub3A_523 : vector<16xf32>
      %parallel_loop3A_732 = arith.constant 0.000000e+00 : f32
      %parallel_loop3A_733 = vector.broadcast %parallel_loop3A_732 : f32 to vector<16xf32>
      %parallel_loop3A_734 = arith.subf %parallel_loop3A_733, %parallel_loop3A_731 : vector<16xf32>
      %parallel_loop3A_735 = math.exp %parallel_loop3A_734 : vector<16xf32>
      %parallel_loop3A_736 = arith.constant 1.000000e+00 : f32
      %parallel_loop3A_737 = vector.broadcast %parallel_loop3A_736 : f32 to vector<16xf32>
      %parallel_loop3A_738 = arith.addf %parallel_loop3A_737, %parallel_loop3A_735 : vector<16xf32>
      %parallel_loop3A_739 = arith.constant 1.000000e+00 : f32
      %parallel_loop3A_740 = vector.broadcast %parallel_loop3A_739 : f32 to vector<16xf32>
      %parallel_loop3A_741 = arith.divf %parallel_loop3A_740, %parallel_loop3A_738 : vector<16xf32>
      %parallel_loop3A_742 = arith.addf %parallel_loop3A_674, %parallel_loop3A_741 : vector<16xf32>
      %parallel_loop3A_743 = arith.constant 112 : i32
      %parallel_loop3A_744 = arith.addi %parallel_loop3A_623, %parallel_loop3A_743 : i32
      %parallel_loop3A_745 = arith.index_cast %parallel_loop3A_744 : i32 to index
      %parallel_loop3A_746 = tpu.vector_load %arg4[%parallel_loop3A_745] {strides = array<i32>} : memref<32768xf32, #tpu.memory_space<vmem>>, vector<16xf32>,
      %parallel_loop3A_747 = vector.shape_cast %parallel_loop3A_746 : vector<16xf32> to vector<16xf32>
      %parallel_loop3A_748 = arith.addf %parallel_loop3A_747, %sub3A_523 : vector<16xf32>
      %parallel_loop3A_749 = arith.constant 0.000000e+00 : f32
      %parallel_loop3A_750 = vector.broadcast %parallel_loop3A_749 : f32 to vector<16xf32>
      %parallel_loop3A_751 = arith.subf %parallel_loop3A_750, %parallel_loop3A_748 : vector<16xf32>
      %parallel_loop3A_752 = math.exp %parallel_loop3A_751 : vector<16xf32>
      %parallel_loop3A_753 = arith.constant 1.000000e+00 : f32
      %parallel_loop3A_754 = vector.broadcast %parallel_loop3A_753 : f32 to vector<16xf32>
      %parallel_loop3A_755 = arith.addf %parallel_loop3A_754, %parallel_loop3A_752 : vector<16xf32>
      %parallel_loop3A_756 = arith.constant 1.000000e+00 : f32
      %parallel_loop3A_757 = vector.broadcast %parallel_loop3A_756 : f32 to vector<16xf32>
      %parallel_loop3A_758 = arith.divf %parallel_loop3A_757, %parallel_loop3A_755 : vector<16xf32>
      %parallel_loop3A_759 = arith.addf %parallel_loop3A_691, %parallel_loop3A_758 : vector<16xf32>
      scf.yield %parallel_loop3A_708, %parallel_loop3A_725, %parallel_loop3A_742, %parallel_loop3A_759 : vector<16xf32>, vector<16xf32>, vector<16xf32>, vector<16xf32>
    } {sc.loop_unroll_factor = 4 : i64, sc.parallel_access}
    %add3A_548 = arith.addf %parallel_loop3A_547#0, %parallel_loop3A_547#1 : vector<16xf32>
    %add3A_549 = arith.addf %add3A_548, %parallel_loop3A_547#2 : vector<16xf32>
    %add3A_550 = arith.addf %add3A_549, %parallel_loop3A_547#3 : vector<16xf32>
    %slice3A_551 = vector.extract_strided_slice %add3A_550 {offsets = [0], sizes = [1], strides = [1]} : vector<16xf32> to vector<1xf32>
    %squeeze3A_552 = vector.extract %slice3A_551[0] : f32 from vector<1xf32>
    %slice3A_553 = vector.extract_strided_slice %add3A_550 {offsets = [1], sizes = [1], strides = [1]} : vector<16xf32> to vector<1xf32>
    %squeeze3A_554 = vector.extract %slice3A_553[0] : f32 from vector<1xf32>
    %add3A_555 = arith.addf %squeeze3A_552, %squeeze3A_554 : f32
    %slice3A_556 = vector.extract_strided_slice %add3A_550 {offsets = [2], sizes = [1], strides = [1]} : vector<16xf32> to vector<1xf32>
    %squeeze3A_557 = vector.extract %slice3A_556[0] : f32 from vector<1xf32>
    %add3A_558 = arith.addf %add3A_555, %squeeze3A_557 : f32
    %slice3A_559 = vector.extract_strided_slice %add3A_550 {offsets = [3], sizes = [1], strides = [1]} : vector<16xf32> to vector<1xf32>
    %squeeze3A_560 = vector.extract %slice3A_559[0] : f32 from vector<1xf32>
    %add3A_561 = arith.addf %add3A_558, %squeeze3A_560 : f32
    %slice3A_562 = vector.extract_strided_slice %add3A_550 {offsets = [4], sizes = [1], strides = [1]} : vector<16xf32> to vector<1xf32>
    %squeeze3A_563 = vector.extract %slice3A_562[0] : f32 from vector<1xf32>
    %add3A_564 = arith.addf %add3A_561, %squeeze3A_563 : f32
    %slice3A_565 = vector.extract_strided_slice %add3A_550 {offsets = [5], sizes = [1], strides = [1]} : vector<16xf32> to vector<1xf32>
    %squeeze3A_566 = vector.extract %slice3A_565[0] : f32 from vector<1xf32>
    %add3A_567 = arith.addf %add3A_564, %squeeze3A_566 : f32
    %slice3A_568 = vector.extract_strided_slice %add3A_550 {offsets = [6], sizes = [1], strides = [1]} : vector<16xf32> to vector<1xf32>
    %squeeze3A_569 = vector.extract %slice3A_568[0] : f32 from vector<1xf32>
    %add3A_570 = arith.addf %add3A_567, %squeeze3A_569 : f32
    %slice3A_571 = vector.extract_strided_slice %add3A_550 {offsets = [7], sizes = [1], strides = [1]} : vector<16xf32> to vector<1xf32>
    %squeeze3A_572 = vector.extract %slice3A_571[0] : f32 from vector<1xf32>
    %add3A_573 = arith.addf %add3A_570, %squeeze3A_572 : f32
    %slice3A_574 = vector.extract_strided_slice %add3A_550 {offsets = [8], sizes = [1], strides = [1]} : vector<16xf32> to vector<1xf32>
    %squeeze3A_575 = vector.extract %slice3A_574[0] : f32 from vector<1xf32>
    %add3A_576 = arith.addf %add3A_573, %squeeze3A_575 : f32
    %slice3A_577 = vector.extract_strided_slice %add3A_550 {offsets = [9], sizes = [1], strides = [1]} : vector<16xf32> to vector<1xf32>
    %squeeze3A_578 = vector.extract %slice3A_577[0] : f32 from vector<1xf32>
    %add3A_579 = arith.addf %add3A_576, %squeeze3A_578 : f32
    %slice3A_580 = vector.extract_strided_slice %add3A_550 {offsets = [10], sizes = [1], strides = [1]} : vector<16xf32> to vector<1xf32>
    %squeeze3A_581 = vector.extract %slice3A_580[0] : f32 from vector<1xf32>
    %add3A_582 = arith.addf %add3A_579, %squeeze3A_581 : f32
    %slice3A_583 = vector.extract_strided_slice %add3A_550 {offsets = [11], sizes = [1], strides = [1]} : vector<16xf32> to vector<1xf32>
    %squeeze3A_584 = vector.extract %slice3A_583[0] : f32 from vector<1xf32>
    %add3A_585 = arith.addf %add3A_582, %squeeze3A_584 : f32
    %slice3A_586 = vector.extract_strided_slice %add3A_550 {offsets = [12], sizes = [1], strides = [1]} : vector<16xf32> to vector<1xf32>
    %squeeze3A_587 = vector.extract %slice3A_586[0] : f32 from vector<1xf32>
    %add3A_588 = arith.addf %add3A_585, %squeeze3A_587 : f32
    %slice3A_589 = vector.extract_strided_slice %add3A_550 {offsets = [13], sizes = [1], strides = [1]} : vector<16xf32> to vector<1xf32>
    %squeeze3A_590 = vector.extract %slice3A_589[0] : f32 from vector<1xf32>
    %add3A_591 = arith.addf %add3A_588, %squeeze3A_590 : f32
    %slice3A_592 = vector.extract_strided_slice %add3A_550 {offsets = [14], sizes = [1], strides = [1]} : vector<16xf32> to vector<1xf32>
    %squeeze3A_593 = vector.extract %slice3A_592[0] : f32 from vector<1xf32>
    %add3A_594 = arith.addf %add3A_591, %squeeze3A_593 : f32
    %slice3A_595 = vector.extract_strided_slice %add3A_550 {offsets = [15], sizes = [1], strides = [1]} : vector<16xf32> to vector<1xf32>
    %squeeze3A_596 = vector.extract %slice3A_595[0] : f32 from vector<1xf32>
    %add3A_597 = arith.addf %add3A_594, %squeeze3A_596 : f32
    %sub3A_598 = arith.constant 6.400000e+01 : f32
    %sub3A_599 = arith.subf %add3A_597, %sub3A_598 : f32
    %broadcast_in_dim3A_600 = vector.broadcast %sub3A_599 : f32 to vector<16xf32>
    %lt3A = arith.constant 0.000000e+00 : f32
    %lt3A_601 = vector.broadcast %lt3A : f32 to vector<16xf32>
    %lt3A_602 = arith.cmpf olt, %broadcast_in_dim3A_600, %lt3A_601 : vector<16xf32>
    %max3A_603 = arith.maximumf %broadcast_in_dim3A_528, %sub3A_523 : vector<16xf32>
    %select_n3A = arith.select %lt3A_602, %max3A_603, %broadcast_in_dim3A_528 : vector<16xi1>, vector<16xf32>
    %ge3A = arith.constant 0.000000e+00 : f32
    %ge3A_604 = vector.broadcast %ge3A : f32 to vector<16xf32>
    %ge3A_605 = arith.cmpf oge, %broadcast_in_dim3A_600, %ge3A_604 : vector<16xf32>
    %min3A_606 = arith.minimumf %broadcast_in_dim3A_533, %sub3A_523 : vector<16xf32>
    %select_n3A_607 = arith.select %ge3A_605, %min3A_606, %broadcast_in_dim3A_533 : vector<16xi1>, vector<16xf32>
    %div3A_608 = arith.divf %broadcast_in_dim3A_600, %max3A_543 : vector<16xf32>
    %sub3A_609 = arith.subf %sub3A_523, %div3A_608 : vector<16xf32>
    %max3A_610 = arith.maximumf %sub3A_609, %select_n3A : vector<16xf32>
    %min3A_611 = arith.minimumf %max3A_610, %select_n3A_607 : vector<16xf32>
    %mul3A_612 = arith.constant 2048 : i32
    %mul3A_613 = arith.muli %arg1, %mul3A_612 : i32
    %parallel_loop3A_614 = arith.constant 0 : i32
    %parallel_loop3A_615 = arith.constant 32 : i32
    %parallel_loop3A_616 = arith.constant 1 : i32
    scf.for %parallel_loop3A_617 = %parallel_loop3A_614 to %parallel_loop3A_615 step %parallel_loop3A_616  : i32 {
      %parallel_loop3A_618 = arith.constant 64 : i32
      %parallel_loop3A_619 = arith.muli %parallel_loop3A_617, %parallel_loop3A_618 : i32
      %parallel_loop3A_620 = arith.addi %mul3A_613, %parallel_loop3A_619 : i32
      %parallel_loop3A_621 = arith.constant 0 : i32
      %parallel_loop3A_622 = arith.addi %parallel_loop3A_620, %parallel_loop3A_621 : i32
      %parallel_loop3A_623 = arith.index_cast %parallel_loop3A_622 : i32 to index
      %parallel_loop3A_624 = tpu.vector_load %arg4[%parallel_loop3A_623] {strides = array<i32>} : memref<32768xf32, #tpu.memory_space<vmem>>, vector<16xf32>,
      %parallel_loop3A_625 = vector.shape_cast %parallel_loop3A_624 : vector<16xf32> to vector<16xf32>
      %parallel_loop3A_626 = arith.addf %parallel_loop3A_625, %min3A_611 : vector<16xf32>
      %parallel_loop3A_627 = arith.constant 0.000000e+00 : f32
      %parallel_loop3A_628 = vector.broadcast %parallel_loop3A_627 : f32 to vector<16xf32>
      %parallel_loop3A_629 = arith.subf %parallel_loop3A_628, %parallel_loop3A_626 : vector<16xf32>
      %parallel_loop3A_630 = math.exp %parallel_loop3A_629 : vector<16xf32>
      %parallel_loop3A_631 = arith.constant 1.000000e+00 : f32
      %parallel_loop3A_632 = vector.broadcast %parallel_loop3A_631 : f32 to vector<16xf32>
      %parallel_loop3A_633 = arith.addf %parallel_loop3A_632, %parallel_loop3A_630 : vector<16xf32>
      %parallel_loop3A_634 = arith.constant 1.000000e+00 : f32
      %parallel_loop3A_635 = vector.broadcast %parallel_loop3A_634 : f32 to vector<16xf32>
      %parallel_loop3A_636 = arith.divf %parallel_loop3A_635, %parallel_loop3A_633 : vector<16xf32>
      %parallel_loop3A_637 = arith.constant 0 : i32
      %parallel_loop3A_638 = arith.addi %parallel_loop3A_619, %parallel_loop3A_637 : i32
      %parallel_loop3A_639 = arith.index_cast %parallel_loop3A_638 : i32 to index
      %parallel_loop3A_640 = tpu.vector_load %arg5[%parallel_loop3A_639] {strides = array<i32>} : memref<2048xf32, #tpu.memory_space<vmem>>, vector<16xf32>,
      %parallel_loop3A_641 = vector.shape_cast %parallel_loop3A_640 : vector<16xf32> to vector<16xf32>
      %parallel_loop3A_642 = vector.shape_cast %parallel_loop3A_636 : vector<16xf32> to vector<16xf32>
      tpu.vector_store %arg5[%parallel_loop3A_639], %parallel_loop3A_642 {strides = array<i32>} : memref<2048xf32, #tpu.memory_space<vmem>>, vector<16xf32>,
      %parallel_loop3A_643 = arith.addi %mul3A_613, %parallel_loop3A_619 : i32
      %parallel_loop3A_644 = arith.constant 16 : i32
      %parallel_loop3A_645 = arith.addi %parallel_loop3A_643, %parallel_loop3A_644 : i32
      %parallel_loop3A_646 = arith.index_cast %parallel_loop3A_645 : i32 to index
      %parallel_loop3A_647 = tpu.vector_load %arg4[%parallel_loop3A_646] {strides = array<i32>} : memref<32768xf32, #tpu.memory_space<vmem>>, vector<16xf32>,
      %parallel_loop3A_648 = vector.shape_cast %parallel_loop3A_647 : vector<16xf32> to vector<16xf32>
      %parallel_loop3A_649 = arith.addf %parallel_loop3A_648, %min3A_611 : vector<16xf32>
      %parallel_loop3A_650 = arith.constant 0.000000e+00 : f32
      %parallel_loop3A_651 = vector.broadcast %parallel_loop3A_650 : f32 to vector<16xf32>
      %parallel_loop3A_652 = arith.subf %parallel_loop3A_651, %parallel_loop3A_649 : vector<16xf32>
      %parallel_loop3A_653 = math.exp %parallel_loop3A_652 : vector<16xf32>
      %parallel_loop3A_654 = arith.constant 1.000000e+00 : f32
      %parallel_loop3A_655 = vector.broadcast %parallel_loop3A_654 : f32 to vector<16xf32>
      %parallel_loop3A_656 = arith.addf %parallel_loop3A_655, %parallel_loop3A_653 : vector<16xf32>
      %parallel_loop3A_657 = arith.constant 1.000000e+00 : f32
      %parallel_loop3A_658 = vector.broadcast %parallel_loop3A_657 : f32 to vector<16xf32>
      %parallel_loop3A_659 = arith.divf %parallel_loop3A_658, %parallel_loop3A_656 : vector<16xf32>
      %parallel_loop3A_660 = arith.constant 16 : i32
      %parallel_loop3A_661 = arith.addi %parallel_loop3A_619, %parallel_loop3A_660 : i32
      %parallel_loop3A_662 = arith.index_cast %parallel_loop3A_661 : i32 to index
      %parallel_loop3A_663 = tpu.vector_load %arg5[%parallel_loop3A_662] {strides = array<i32>} : memref<2048xf32, #tpu.memory_space<vmem>>, vector<16xf32>,
      %parallel_loop3A_664 = vector.shape_cast %parallel_loop3A_663 : vector<16xf32> to vector<16xf32>
      %parallel_loop3A_665 = vector.shape_cast %parallel_loop3A_659 : vector<16xf32> to vector<16xf32>
      tpu.vector_store %arg5[%parallel_loop3A_662], %parallel_loop3A_665 {strides = array<i32>} : memref<2048xf32, #tpu.memory_space<vmem>>, vector<16xf32>,
      %parallel_loop3A_666 = arith.addi %mul3A_613, %parallel_loop3A_619 : i32
      %parallel_loop3A_667 = arith.constant 32 : i32
      %parallel_loop3A_668 = arith.addi %parallel_loop3A_666, %parallel_loop3A_667 : i32
      %parallel_loop3A_669 = arith.index_cast %parallel_loop3A_668 : i32 to index
      %parallel_loop3A_670 = tpu.vector_load %arg4[%parallel_loop3A_669] {strides = array<i32>} : memref<32768xf32, #tpu.memory_space<vmem>>, vector<16xf32>,
      %parallel_loop3A_671 = vector.shape_cast %parallel_loop3A_670 : vector<16xf32> to vector<16xf32>
      %parallel_loop3A_672 = arith.addf %parallel_loop3A_671, %min3A_611 : vector<16xf32>
      %parallel_loop3A_673 = arith.constant 0.000000e+00 : f32
      %parallel_loop3A_674 = vector.broadcast %parallel_loop3A_673 : f32 to vector<16xf32>
      %parallel_loop3A_675 = arith.subf %parallel_loop3A_674, %parallel_loop3A_672 : vector<16xf32>
      %parallel_loop3A_676 = math.exp %parallel_loop3A_675 : vector<16xf32>
      %parallel_loop3A_677 = arith.constant 1.000000e+00 : f32
      %parallel_loop3A_678 = vector.broadcast %parallel_loop3A_677 : f32 to vector<16xf32>
      %parallel_loop3A_679 = arith.addf %parallel_loop3A_678, %parallel_loop3A_676 : vector<16xf32>
      %parallel_loop3A_680 = arith.constant 1.000000e+00 : f32
      %parallel_loop3A_681 = vector.broadcast %parallel_loop3A_680 : f32 to vector<16xf32>
      %parallel_loop3A_682 = arith.divf %parallel_loop3A_681, %parallel_loop3A_679 : vector<16xf32>
      %parallel_loop3A_683 = arith.constant 32 : i32
      %parallel_loop3A_684 = arith.addi %parallel_loop3A_619, %parallel_loop3A_683 : i32
      %parallel_loop3A_685 = arith.index_cast %parallel_loop3A_684 : i32 to index
      %parallel_loop3A_686 = tpu.vector_load %arg5[%parallel_loop3A_685] {strides = array<i32>} : memref<2048xf32, #tpu.memory_space<vmem>>, vector<16xf32>,
      %parallel_loop3A_687 = vector.shape_cast %parallel_loop3A_686 : vector<16xf32> to vector<16xf32>
      %parallel_loop3A_688 = vector.shape_cast %parallel_loop3A_682 : vector<16xf32> to vector<16xf32>
      tpu.vector_store %arg5[%parallel_loop3A_685], %parallel_loop3A_688 {strides = array<i32>} : memref<2048xf32, #tpu.memory_space<vmem>>, vector<16xf32>,
      %parallel_loop3A_689 = arith.addi %mul3A_613, %parallel_loop3A_619 : i32
      %parallel_loop3A_690 = arith.constant 48 : i32
      %parallel_loop3A_691 = arith.addi %parallel_loop3A_689, %parallel_loop3A_690 : i32
      %parallel_loop3A_692 = arith.index_cast %parallel_loop3A_691 : i32 to index
      %parallel_loop3A_693 = tpu.vector_load %arg4[%parallel_loop3A_692] {strides = array<i32>} : memref<32768xf32, #tpu.memory_space<vmem>>, vector<16xf32>,
      %parallel_loop3A_694 = vector.shape_cast %parallel_loop3A_693 : vector<16xf32> to vector<16xf32>
      %parallel_loop3A_695 = arith.addf %parallel_loop3A_694, %min3A_611 : vector<16xf32>
      %parallel_loop3A_696 = arith.constant 0.000000e+00 : f32
      %parallel_loop3A_697 = vector.broadcast %parallel_loop3A_696 : f32 to vector<16xf32>
      %parallel_loop3A_698 = arith.subf %parallel_loop3A_697, %parallel_loop3A_695 : vector<16xf32>
      %parallel_loop3A_699 = math.exp %parallel_loop3A_698 : vector<16xf32>
      %parallel_loop3A_700 = arith.constant 1.000000e+00 : f32
      %parallel_loop3A_701 = vector.broadcast %parallel_loop3A_700 : f32 to vector<16xf32>
      %parallel_loop3A_702 = arith.addf %parallel_loop3A_701, %parallel_loop3A_699 : vector<16xf32>
      %parallel_loop3A_703 = arith.constant 1.000000e+00 : f32
      %parallel_loop3A_704 = vector.broadcast %parallel_loop3A_703 : f32 to vector<16xf32>
      %parallel_loop3A_705 = arith.divf %parallel_loop3A_704, %parallel_loop3A_702 : vector<16xf32>
      %parallel_loop3A_706 = arith.constant 48 : i32
      %parallel_loop3A_707 = arith.addi %parallel_loop3A_619, %parallel_loop3A_706 : i32
      %parallel_loop3A_708 = arith.index_cast %parallel_loop3A_707 : i32 to index
      %parallel_loop3A_709 = tpu.vector_load %arg5[%parallel_loop3A_708] {strides = array<i32>} : memref<2048xf32, #tpu.memory_space<vmem>>, vector<16xf32>,
      %parallel_loop3A_710 = vector.shape_cast %parallel_loop3A_709 : vector<16xf32> to vector<16xf32>
      %parallel_loop3A_711 = vector.shape_cast %parallel_loop3A_705 : vector<16xf32> to vector<16xf32>
      tpu.vector_store %arg5[%parallel_loop3A_708], %parallel_loop3A_711 {strides = array<i32>} : memref<2048xf32, #tpu.memory_space<vmem>>, vector<16xf32>,
    } {sc.loop_unroll_factor = 4 : i64, sc.parallel_access}
    "tpu.region"() ({
      %run_scoped3A = tpu.sem_alloc : memref<!tpu.dma_semaphore, #tpu.memory_space<semaphore_mem>>
      %dma_start3A = tpu.memref_slice %arg3[%mul3A_613] : memref<32768xf32, #tpu.memory_space<hbm>> -> memref<2048xf32, #tpu.memory_space<hbm>>
      %dma_start3A_617 = tpu.memref_slice %arg3[%mul3A_613] : memref<32768xf32, #tpu.memory_space<hbm>> -> memref<2048xf32, #tpu.memory_space<hbm>>
      tpu.enqueue_dma source(%arg5 : memref<2048xf32, #tpu.memory_space<vmem>>) target(%dma_start3A_617 : memref<2048xf32, #tpu.memory_space<hbm>>) target_semaphore(%run_scoped3A : memref<!tpu.dma_semaphore, #tpu.memory_space<semaphore_mem>>)
      %dma_wait3A = tpu.memref_slice %arg3[%mul3A_613] : memref<32768xf32, #tpu.memory_space<hbm>> -> memref<2048xf32, #tpu.memory_space<hbm>>
      %dma_wait3A_618 = tpu.memref_slice %arg3[%mul3A_613] : memref<32768xf32, #tpu.memory_space<hbm>> -> memref<2048xf32, #tpu.memory_space<hbm>>
      tpu.wait_dma2 semaphore(%run_scoped3A : memref<!tpu.dma_semaphore, #tpu.memory_space<semaphore_mem>>) src(%arg5 : memref<2048xf32, #tpu.memory_space<vmem>>) dst(%dma_wait3A_618 : memref<2048xf32, #tpu.memory_space<hbm>>)
      tpu.yield
    }) : () -> ()
    return
  }
}

</mosaic_0001>

<sc_bundles>
// kernel: kernel.3.cloned.1.call-start
scs
__scs_entry_jumppad:
0x0: {  	(pc) =	sbr.rel $0x88, $3  }
0x1: {  	(tag) =	ssettag $0x0;
	lr =	simm.s32 $0x1  }
0x2: {  	[smem:$0x3FA0] =	sst lr;
	_ =	strace $0xD0000000  }
0x3: {  	_ = 	snop  }
0x4: {  	_ = 	snop  }
0x5: {  	_ = 	snop  }
0x6: {  	_ = 	snop  }
0x7: {  	_ = 	snop  }
__scs_overlays_trampoline_lowered:
0x8: {  	[smem:$0x3FAF] =	sst s0  }
0x9: {  	[smem:$0x3FB0] =	sst s1  }
0xa: {  	[smem:$0x3FB1] =	sst s2  }
0xb: {  	[smem:$0x3FB2] =	sst s3  }
0xc: {  	[smem:$0x3FB3] =	sst s4  }
0xd: {  	[smem:$0x3FB4] =	sst s5  }
0xe: {  	[smem:$0x3FB5] =	sst s6  }
0xf: {  	[smem:$0x3FB6] =	sst s7  }
0x10: {  	[smem:$0x3FB7] =	sst s8  }
0x11: {  	[smem:$0x3FB8] =	sst s9;
	s0 =	simm.s32 @!p0 $0x0  }
0x12: {  	s1 =	sld [smem:$0x3F9E];
	s0 =	simm.s32 @p0 $0x1  }
0x13: {  	[smem:$0x3FB9] =	sst s0;
	s0 =	simm.s32 @!p1 $0x0  }
0x14: {  	s2 =	sld [smem:$0x3F9D];
	s0 =	simm.s32 @p1 $0x1  }
0x15: {  	[smem:$0x3FBA] =	sst s0;
	s0 =	simm.s32 @!p2 $0x0  }
0x16: {  	s3 =	sld [smem:$0x3FDB];
	s0 =	simm.s32 @p2 $0x1  }
0x17: {  	s4 =	simm.s32 $0x1BF5;
	[smem:$0x3FBC] =	sst s0  }
0x18: {  	s0 =	sld [smem:$0x3F9F];
	_ =	swait.ge [sflag:s4], $0x0  }
0x19: {  	s7 =	sld [smem:$0x3FA0]  }
0x1a: {  	s8 =	sadd.s32 $0xFFFFE003, lr  }
0x1b: {  	s9 =	sadd.s32 $0xFFFFFEF7, lr;
	s5 =	simm.s32 $0xFFFFFFFF;
	p2 =	slt.u32 s8, $0xFFFFF086  }
0x1c: {  	p1 =	slt.u32 s9, $0xF7A;
	s5 =	simm.s32 @!p2 $0x0  }
0x1d: {  	s5 =	simm.s32 @p1 $0x1;
	p0 =	seq.s32 s7, s2  }
0x1e: {  	s7 =	smul.u32 @!p0 $0xF7A, s2;
	p2 =	seq.s32 @!p0 s5, $0x0  }
0x1f: {  	s9 =	smul.u32 $0xF7A, s1;
	s8 =	simm.s32 @!p0 $0x1BF5;
	p2 =	por !p2, p0  }
0x20: {  	[sflag:s8] =	ssyncset.s32 @!p0 $0xFFFFF086;
	s6 =	sadd.s32 @!p0 s3, s7;
	s7 =	simm.s32 @!p0 $0x108  }
0x21: {  	s3 =	sadd.s32 s3, s9;
	s6 =	sadd.s32 @!p0 $0x88, s6;
	s7 =	simm.s32 @p2 $0x1082  }
0x22: {  	[simem:s7], [sflag:s8] =	dma.local @!p0 [hbm:s6], $0xF7A  }
0x23: {  	s9 =	sor.u32 $0xD0000000, s2;
	s6 =	simm.s32 $0x108;
	_ =	swait.ge @!p0 [sflag:s8], $0x0  }
0x24: {  	s3 =	sadd.s32 $0x88, s3;
	s6 =	simm.s32 @!p1 $0x1082;
	[sflag:s4] =	ssyncset.s32 $0xFFFFF086  }
0x25: {  	[simem:s6], [sflag:s4] =	dma.local [hbm:s3], $0xF7A  }
0x26: {  	[smem:$0x3FA0] =	sst s1;
	(tag) =	ssettag s2;
	_ =	strace s9  }
0x27: {  	s1 =	sld [smem:$0x3FB0]  }
0x28: {  	s2 =	sld [smem:$0x3FB1]  }
0x29: {  	s4 =	sld [smem:$0x3FB3]  }
0x2a: {  	p0 =	seq.s32 s5, $0x0;
	s5 =	sld [smem:$0x3FB4]  }
0x2b: {  	s6 =	sld [smem:$0x3FB5]  }
0x2c: {  	s7 =	sld [smem:$0x3FB6]  }
0x2d: {  	s3 =	simm.s32 $0x108;
	s8 =	sld [smem:$0x3FB7]  }
0x2e: {  	s3 =	simm.s32 @!p0 $0x1082;
	s9 =	sld [smem:$0x3FB8]  }
0x2f: {  	lr =	sadd.s32 s0, s3;
	s0 =	sld [smem:$0x3FAF]  }
0x30: {  	s3 =	sld [smem:$0x3FB2]  }
0x31: {  	[smem:$0x3FBB] =	sst s10  }
0x32: {  	s10 =	sld [smem:$0x3FB9];
	_ =	sdelay $0x3  }
0x33: {  	p0 =	seq.s32 s10, $0x1;
	s10 =	sld [smem:$0x3FBB];
	_ =	sdelay $0x3  }
0x34: {  	[smem:$0x3FBB] =	sst s10  }
0x35: {  	s10 =	sld [smem:$0x3FBA];
	_ =	sdelay $0x3  }
0x36: {  	p1 =	seq.s32 s10, $0x1;
	s10 =	sld [smem:$0x3FBB];
	_ =	sdelay $0x3  }
0x37: {  	[smem:$0x3FBB] =	sst s10  }
0x38: {  	s10 =	sld [smem:$0x3FBC]  }
0x39: {  	_ = 	snop;
	(pc) =	sbr.ind lr, $3  }
0x3a: {  	_ = 	snop  }
0x3b: {  	_ = 	snop  }
0x3c: {  	p2 =	seq.s32 s10, $0x1;
	s10 =	sld [smem:$0x3FBB]  }
0x3d: {  	_ =	shalt  }
0x3e: {  	_ =	shalt  }
0x3f: {  	_ =	shalt  }
0x40: {  	_ =	shalt  }
0x41: {  	_ =	shalt  }
0x42: {  	_ =	shalt  }
0x43: {  	_ =	shalt  }
0x44: {  	_ =	shalt  }
0x45: {  	_ =	shalt  }
0x46: {  	_ =	shalt  }
0x47: {  	_ =	shalt  }
0x48: {  	_ =	shalt  }
0x49: {  	_ =	shalt  }
0x4a: {  	_ =	shalt  }
0x4b: {  	_ =	shalt  }
0x4c: {  	_ =	shalt  }
0x4d: {  	_ =	shalt  }
0x4e: {  	_ =	shalt  }
0x4f: {  	_ =	shalt  }
0x50: {  	_ =	shalt  }
0x51: {  	_ =	shalt  }
0x52: {  	_ =	shalt  }
0x53: {  	_ =	shalt  }
0x54: {  	_ =	shalt  }
0x55: {  	_ =	shalt  }
0x56: {  	_ =	shalt  }
0x57: {  	_ =	shalt  }
0x58: {  	_ =	shalt  }
0x59: {  	_ =	shalt  }
0x5a: {  	_ =	shalt  }
0x5b: {  	_ =	shalt  }
0x5c: {  	_ =	shalt  }
0x5d: {  	_ =	shalt  }
0x5e: {  	_ =	shalt  }
0x5f: {  	_ =	shalt  }
0x60: {  	_ =	shalt  }
0x61: {  	_ =	shalt  }
0x62: {  	_ =	shalt  }
0x63: {  	_ =	shalt  }
0x64: {  	_ =	shalt  }
0x65: {  	_ =	shalt  }
0x66: {  	_ =	shalt  }
0x67: {  	_ =	shalt  }
0x68: {  	_ =	shalt  }
0x69: {  	_ =	shalt  }
0x6a: {  	_ =	shalt  }
0x6b: {  	_ =	shalt  }
0x6c: {  	_ =	shalt  }
0x6d: {  	_ =	shalt  }
0x6e: {  	_ =	shalt  }
0x6f: {  	_ =	shalt  }
0x70: {  	_ =	shalt  }
0x71: {  	_ =	shalt  }
0x72: {  	_ =	shalt  }
0x73: {  	_ =	shalt  }
0x74: {  	_ =	shalt  }
0x75: {  	_ =	shalt  }
0x76: {  	_ =	shalt  }
0x77: {  	_ =	shalt  }
0x78: {  	_ =	shalt  }
0x79: {  	_ =	shalt  }
0x7a: {  	_ =	shalt  }
0x7b: {  	_ =	shalt  }
0x7c: {  	_ =	shalt  }
0x7d: {  	_ =	shalt  }
0x7e: {  	_ =	shalt  }
0x7f: {  	_ =	shalt  }
0x80: {  	_ =	shalt  }
0x81: {  	_ =	shalt  }
0x82: {  	_ =	shalt  }
0x83: {  	_ =	shalt  }
0x84: {  	_ =	shalt  }
0x85: {  	_ =	shalt  }
0x86: {  	_ =	shalt  }
0x87: {  	_ =	shalt  }
.Lfunc_end0:
.L_simem_size_0:
called_computation_lowered:
.L_overlay_start_0:
0x88: {  	s0 =	sld [smem:$0x3FD9]  }
0x89: {  	s1 =	sld [smem:$0x3FFE];
	_ =	sdelay $0x3  }
0x8a: {  	s0 =	sadd.s32 s1, s0  }
0x8b: {  	[smem:$0x3FC7] =	sst s0  }
0x8c: {  	_ = 	snop  }
0x8d: {  	s0 =	sld [smem:$0x3FC9]  }
0x8e: {  	s17 =	sld [smem:$0x3FD0];
	(tm) =	ssettm $0x1  }
0x8f: {  	s2 =	sld [smem:$0x3FFB];
	_ =	sdelay $0x3  }
0x90: {  	_ =	strace s2  }
0x91: {  	s2 =	sld [smem:$0x3FFC];
	_ =	sdelay $0x3  }
0x92: {  	_ =	strace s2  }
0x93: {  	s2 =	sld [smem:$0x3FFD];
	_ =	sdelay $0x3  }
0x94: {  	_ =	strace s2  }
0x95: {  	_ =	strace $0x8FFFFFFF  }
0x96: {  	s18 =	sld [smem:$0x3FDB];
	_ =	sdelay $0x1  }
0x97: {  	s3 =	simm.s32 $_scs_section_size  }
0x98: {  	s4 =	simm.s32 $_size__tile_overlayer_lowered;
	s5 =	simm.s32 $_tile_overlayer_lowered  }
0x99: {  	s21 =	simm.s32 $0x1BFF;
	s20 =	sshll.u32 s5, $0x1;
	s2 =	sadd.s32 s3, s18  }
0x9a: {  	s6 =	simm.s32 $0x0;
	s19 =	sshll.u32 s4, $0x1;
	s4 =	sadd.s32 s20, s2  }
0x9b: {  	[timem:s6], [sflag:s21] =	dma.local [hbm:s4], s19  }
0x9c: {  	_ =	swait.ge [sflag:s21], s19  }
0x9d: {  	s3 =	ssub.s32 $0x0, s19;
	[sflag:s21] =	ssyncset.done $0x0  }
0x9e: {  	[sflag:s21] =	ssyncadd.s32 s3;
	_ =	sdelay $0x1  }
0x9f: {  	s22 =	simm.s32 $0x1B8B  }
0xa0: {  	_ =	swait.ge [sflag:s22], $0x1  }
0xa1: {  	[sflag:s22] =	ssyncset.done $0x0  }
0xa2: {  	s23 =	simm.s32 $0x1B8E;
	[sflag:s22] =	ssyncadd.s32 $0xFFFFFFFF  }
0xa3: {  	s24 =	simm.s32 $execute0_lowered;
	[smem:$0x3FD2] =	sst s23  }
0xa4: {  	s3 =	sshll.u32 s24, $0x1;
	_ =	strace $0x80000046;
	[dreg:$0x1] =	wrdreg $0xFFFFFFFF  }
0xa5: {  	s25 =	simm.s32 $_size_execute0_lowered;
	s2 =	sadd.s32 s2, s3;
	[dreg:$0x0] =	wrdreg $0x0  }
0xa6: {  	s3 =	sshll.u32 s25, $0x1;
	[dreg:$0x2] =	wrdreg s2  }
0xa7: {  	[dreg:$0x3] =	wrdreg s3  }
0xa8: {  	[dreg:$0x4] =	wrdreg $0xC0  }
0xa9: {  	_ =	task [dreg:s6], $0x5FFFF  }
0xaa: {  	[dreg:$0x1] =	wrdreg $0xFFFFFFFF  }
0xab: {  	[dreg:$0x0] =	wrdreg $0x60  }
0xac: {  	[dreg:$0x2] =	wrdreg s0  }
0xad: {  	[dreg:$0x3] =	wrdreg s17  }
0xae: {  	[dreg:$0x4] =	wrdreg $0x9  }
0xaf: {  	_ =	task.clear_ibuf [dreg:s6], $0x5FFFF;
	_ =	strace $0x90000046  }
0xb0: {  	s26 =	simm.s32 $0x9;
	_ =	strace $0x80000048  }
0xb1: {  	_ =	swait.ge [sflag:s26], $0x1  }
0xb2: {  	[sflag:s26] =	ssyncadd.s32 $0xFFFFFFFF  }
0xb3: {  	_ =	strace $0x90000048  }
0xb4: {  	_ =	sfence  }
0xb5: {  	s28 =	sld [smem:$0x0];
	_ =	sdelay $0x1  }
0xb6: {  	s29 =	srdreg.scid  }
0xb7: {  	s30 =	sshll.u32 s29, $0xD;
	s31 =	sshrl.u32 s29, $0x2  }
0xb8: {  	s1 =	sand.u32 $0x1, s29;
	s2 =	sand.u32 $0x4000, s30;
	s0 =	sadd.s32 s31, s28  }
0xb9: {  	s1 =	sor.u32 s2, s1;
	s0 =	sshll.u32 s0, $0x11  }
0xba: {  	s0 =	sor.u32 s0, s1  }
0xbb: {  	s0 =	sadd.s32 $0x8F2B, s0  }
0xbc: {  	[sflag:s0] =	ssyncadd.remote.s32 $0x1  }
0xbd: {  	_ =	sfence.sel $0xFFFF  }
0xbe: {  	[dreg:$0x0] =	wrdreg $0xFFFFFFFF;
	(pc) =	sbr.abs _section_cstart, $3  }
0xbf: {  	[dreg:$0x1] =	wrdreg $0xFFFFFFFF  }
0xc0: {  	_ =	task.clear_ibuf [dreg:s6], $0x2FFFF;
	_ =	strace $0x9FFFFFFF  }
0xc1: {  	(tm) =	ssettm $0x7FFFFFFF  }
tec
execute0_lowered:
.L_overlay_start_1:
0x0: {  	(tag) =	ssettag $0x1  }
0x1: {  	s2 =	rddreg [dreg:$0x0]  }
0x2: {  	s1 =	rddreg [dreg:$0x1];
	s3 =	simm.s32 $0x0  }
0x3: {  	[smem:$0x7FF] =	sst s3  }
0x4: {  	s0 =	rddreg [dreg:$0x2];
	s30 =	simm.s32 $0x1;
	_ =	strace $0x80000047  }
0x5: {  	[tilespmem:s3], [sflag:$0x1] =	stream.linear.gather [hbm4b:s2+s3], $0x8000, $0x38;
	[tilespmem:$0x8800] =	vst v63  }
0x6: {  	_ =	swait.ge [sflag:s30], $0x8000  }
0x7: {  	[sflag:s30] =	ssyncset.done $0x0  }
0x8: {  	s31 =	simm.s32 $0x0;
	[sflag:s30] =	ssyncadd.s32 $0xFFFF8000  }
0x9: {  	v0 =	vld [tilespmem:s31+$0x20]  }
0xa: {  	v2 =	vld [tilespmem:s31+$0x50]  }
0xb: {  	v1 =	vld [tilespmem:s31+$0x10]  }
0xc: {  	v4 =	vld [tilespmem:s31+$0x30]  }
0xd: {  	v3 =	vld [tilespmem:s31+$0x0]  }
0xe: {  	v5 =	vadd.f32 $-1.200000000e+01, v0  }
0xf: {  	v6 =	vadd.f32 $-1.200000000e+01, v2  }
0x10: {  	v8 =	vld [tilespmem:s31+$0x40];
	v7 =	vadd.f32 $-1.200000000e+01, v1;
	v5 =	vmul.f32 $1.442695020e+00, v5  }
0x11: {  	v10 =	vld [tilespmem:$0x0];
	v9 =	vadd.f32 $-1.200000000e+01, v4;
	v6 =	vmul.f32 $1.442695020e+00, v6  }
0x12: {  	v11 =	vadd.f32 $-1.200000000e+01, v3;
	(erf) = vpow2.f32 v5;
	v5 =	vmul.f32 $1.442695020e+00, v7  }
0x13: {  	v7 =	vmul.f32 $1.442695020e+00, v9;
	(erf) = vpow2.f32 v6  }
0x14: {  	v9 =	vld [tilespmem:s31+$0x60];
	v6 =	vmul.f32 $1.442695020e+00, v11;
	(erf) = vpow2.f32 v5  }
0x15: {  	v5 =	vld [tilespmem:s31+$0x70];
	(erf) = vpow2.f32 v7;
	v7 =	vadd.f32 $-1.200000000e+01, v8  }
0x16: {  	(erf) = vpow2.f32 v6;
	v6 =	vmin.f32 v10, v3;
	v3 =	vmax.f32 v10, v3  }
0x17: {  	v6 =	vmin.f32 v6, v1;
	v1 =	vmax.f32 v3, v1  }
0x18: {  	v11 =	vmul.f32 $1.442695020e+00, v7;
	v6 =	vmin.f32 v6, v0;
	v0 =	vmax.f32 v1, v0  }
0x19: {  	s4 =	simm.s32 $0x80;
	v7 =	vadd.f32 $-1.200000000e+01, v9;
	v6 =	vmin.f32 v6, v4;
	v0 =	vmax.f32 v0, v4  }
0x1a: {  	v3 =	vld [tilespmem:s4+$0x40];
	v10 =	vadd.f32 $-1.200000000e+01, v5;
	v13 =	vmin.f32 v6, v8;
	v6 =	vmax.f32 v0, v8  }
0x1b: {  	v14 =	vpop (erf)  }
0x1c: {  	v12 =	vimm.f32 $0.0e+00;
	v1 =	vmul.f32 $1.442695020e+00, v7;
	v4 =	vmul.f32 $1.442695020e+00, v10;
	v16 =	vpop (erf)  }
0x1d: {  	v0 =	vld [tilespmem:s4+$0x20];
	v8 =	vmax.f32 v6, v2;
	v2 =	vmin.f32 v13, v2;
	v15 =	vmul.f32 v14, v14;
	v6 =	vpop (erf)  }
0x1e: {  	v8 =	vmax.f32 v8, v9;
	(erf) = vpow2.f32 v1;
	v1 =	vld [tilespmem:s4+$0x50];
	v18 =	vadd.f32 v6, v12  }
0x1f: {  	v7 =	vld [tilespmem:s4+$0x30];
	v6 =	vmul.f32 v6, v6;
	v19 =	vpop (erf);
	(erf) = vpow2.f32 v4;
	v4 =	vadd.f32 $-1.200000000e+01, v3  }
0x20: {  	v2 =	vmin.f32 v2, v9;
	v17 =	vmul.f32 v16, v16;
	v21 =	vpop (erf);
	(erf) = vpow2.f32 v11  }
0x21: {  	v10 =	vld [tilespmem:s4+$0x10];
	v11 =	vadd.f32 v6, v12;
	v6 =	vmul.f32 $1.442695020e+00, v4;
	v4 =	vadd.f32 v21, v12  }
0x22: {  	v2 =	vmin.f32 v2, v5;
	v13 =	vadd.f32 $-1.200000000e+01, v0;
	v18 =	vadd.f32 v19, v18  }
0x23: {  	v20 =	vmul.f32 v19, v19;
	v19 =	vld [tilespmem:s4+$0x0];
	v4 =	vadd.f32 v14, v4;
	v14 =	vadd.f32 $-1.200000000e+01, v1  }
0x24: {  	v9 =	vadd.f32 $-1.200000000e+01, v7;
	v22 =	vmul.f32 v21, v21;
	v13 =	vmul.f32 $1.442695020e+00, v13  }
0x25: {  	v20 =	vadd.f32 v20, v11;
	v11 =	vadd.f32 v16, v18;
	v14 =	vmul.f32 $1.442695020e+00, v14  }
0x26: {  	v5 =	vmax.f32 v8, v5;
	v16 =	vadd.f32 $-1.200000000e+01, v10;
	v18 =	vadd.f32 v22, v12  }
0x27: {  	v61 =	vmul.f32 $1.442695020e+00, v9;
	(erf) = vpow2.f32 v13;
	v17 =	vadd.f32 v17, v20;
	v62 =	vpop (erf)  }
0x28: {  	v16 =	vmul.f32 $1.442695020e+00, v16;
	v18 =	vadd.f32 v15, v18;
	v63 =	vadd.f32 $-1.200000000e+01, v19;
	v12 =	vpop (erf)  }
0x29: {  	v13 =	vmin.f32 v2, v19;
	(erf) = vpow2.f32 v14;
	v14 =	vpop (erf);
	v15 =	vmul.f32 v12, v12  }
0x2a: {  	v13 =	vmin.f32 v13, v10;
	v22 =	vmul.f32 $1.442695020e+00, v63;
	v4 =	vadd.f32 v14, v4  }
0x2b: {  	v2 =	vld [tilespmem:s4+$0x70];
	v13 =	vmin.f32 v13, v0;
	(erf) = vpow2.f32 v16;
	v8 =	vadd.f32 v15, v17  }
0x2c: {  	v15 =	vmax.f32 v5, v19;
	v5 =	vmin.f32 v13, v7;
	v13 =	vadd.f32 v62, v4;
	v4 =	vld [tilespmem:s4+$0x60]  }
0x2d: {  	(erf) = vpow2.f32 v61  }
0x2e: {  	v14 =	vmul.f32 v14, v14;
	(erf) = vpow2.f32 v22  }
0x2f: {  	v9 =	vmul.f32 v62, v62  }
0x30: {  	s2 =	stileid.u32;
	s3 =	simm.s32 $0x400;
	v16 =	vadd.f32 $-1.200000000e+01, v2;
	v5 =	vmin.f32 v5, v3;
	v14 =	vadd.f32 v14, v18  }
.LBB2_1:
0x31: {  	s4 =	sshra.s32 s3, $0x2;
	p0 =	sne.s32 s3, $0x1FE00;
	s3 =	sadd.s32 $0x200, s3;
	v10 =	vmax.f32 v15, v10;
	v18 =	vadd.f32 $-1.200000000e+01, v4;
	v11 =	vadd.f32 v12, v11  }
0x32: {  	v12 =	vld [tilespmem:s4+$0x40];
	v10 =	vmax.f32 v10, v0;
	v16 =	vmul.f32 $1.442695020e+00, v16;
	v17 =	vpop (erf);
	v9 =	vadd.f32 v9, v14  }
0x33: {  	v0 =	vld [tilespmem:s4+$0x20];
	v14 =	vmul.f32 v17, v17;
	v7 =	vmax.f32 v10, v7;
	v10 =	vmul.f32 $1.442695020e+00, v18;
	v15 =	vpop (erf)  }
0x34: {  	v18 =	vld [tilespmem:s4+$0x60];
	v7 =	vmax.f32 v7, v3  }
0x35: {  	v21 =	vmul.f32 v15, v15;
	v19 =	vld [tilespmem:s4+$0x50];
	v20 =	vmax.f32 v7, v1;
	v3 =	vpop (erf);
	(erf) = vpow2.f32 v10  }
0x36: {  	v22 =	vld [tilespmem:s4+$0x70];
	v11 =	vadd.f32 v3, v11;
	v27 =	vmul.f32 v3, v3;
	v23 =	vpop (erf);
	(erf) = vpow2.f32 v16  }
0x37: {  	v7 =	vld [tilespmem:s4+$0x30];
	v16 =	vadd.f32 $-1.200000000e+01, v12;
	v24 =	vmul.f32 v23, v23;
	v25 =	vpop (erf);
	(erf) = vpow2.f32 v6  }
0x38: {  	v3 =	vmovc v12;
	v10 =	vld [tilespmem:s4+$0x10];
	v26 =	vmul.f32 v25, v25;
	v8 =	vadd.f32 v27, v8;
	v11 =	vadd.f32 v23, v11  }
0x39: {  	v12 =	vadd.f32 v25, v13;
	v13 =	vmax.f32 v20, v4;
	v6 =	vmul.f32 $1.442695020e+00, v16  }
0x3a: {  	v5 =	vmin.f32 v5, v1;
	v16 =	vld [tilespmem:s4+$0x0];
	v8 =	vadd.f32 v24, v8;
	v11 =	vadd.f32 v15, v11;
	v1 =	vmovc v19  }
0x3b: {  	v5 =	vmin.f32 v5, v4;
	v4 =	vmovc v18;
	v15 =	vadd.f32 $-1.200000000e+01, v0;
	v17 =	vadd.f32 v17, v12  }
0x3c: {  	v5 =	vmin.f32 v5, v2;
	v18 =	vadd.f32 $-1.200000000e+01, v1;
	v25 =	vadd.f32 $-1.200000000e+01, v7  }
0x3d: {  	v20 =	vadd.f32 v26, v9;
	v15 =	vmul.f32 $1.442695020e+00, v15;
	v19 =	vadd.f32 $-1.200000000e+01, v10  }
0x3e: {  	v8 =	vadd.f32 v21, v8;
	v23 =	vmul.f32 $1.442695020e+00, v25;
	v25 =	vmul.f32 $1.442695020e+00, v18;
	v21 =	vpop (erf)  }
0x3f: {  	v24 =	vadd.f32 $-1.200000000e+01, v16;
	(erf) = vpow2.f32 v15;
	v9 =	vmul.f32 v21, v21;
	v12 =	vpop (erf)  }
0x40: {  	v5 =	vmin.f32 v5, v16;
	v15 =	vmul.f32 $1.442695020e+00, v19;
	(erf) = vpow2.f32 v25;
	v18 =	vpop (erf)  }
0x41: {  	v14 =	vadd.f32 v14, v20;
	v5 =	vmin.f32 v5, v10;
	v19 =	vmul.f32 v12, v12  }
.Ltmp0:
0x42: {  	v20 =	vmul.f32 $1.442695020e+00, v24;
	v17 =	vadd.f32 v18, v17;
	(erf) = vpow2.f32 v15;
	(pc) =	sbr.rel @p0 .LBB2_1-.Ltmp0, $4  }
0x43: {  	v13 =	vmax.f32 v13, v2;
	v2 =	vmovc v22;
	v8 =	vadd.f32 v19, v8;
	(erf) = vpow2.f32 v23  }
0x44: {  	v5 =	vmin.f32 v5, v0;
	v18 =	vmul.f32 v18, v18;
	(erf) = vpow2.f32 v20  }
0x45: {  	v15 =	vmax.f32 v13, v16;
	v5 =	vmin.f32 v5, v7;
	v13 =	vadd.f32 v21, v17  }
0x46: {  	v16 =	vadd.f32 $-1.200000000e+01, v2;
	v5 =	vmin.f32 v5, v3;
	v14 =	vadd.f32 v18, v14  }
0x47: {  	v10 =	vmax.f32 v15, v10  }
0x48: {  	v15 =	vadd.f32 $-1.200000000e+01, v4;
	v0 =	vmax.f32 v10, v0  }
0x49: {  	v0 =	vmax.f32 v0, v7  }
0x4a: {  	v7 =	vmul.f32 $1.442695020e+00, v15;
	v0 =	vmax.f32 v0, v3  }
0x4b: {  	v10 =	vmul.f32 $1.442695020e+00, v16;
	v0 =	vmax.f32 v0, v1  }
0x4c: {  	(erf) = vpow2.f32 v7;
	v0 =	vmax.f32 v0, v4  }
0x4d: {  	(erf) = vpow2.f32 v10;
	v0 =	vmax.f32 v0, v2  }
0x4e: {  	(erf) = vpow2.f32 v6;
	(v2sf) =	vpush v0, $0x0  }
0x4f: {  	v3 =	vpop (erf);
	(v2sf) =	vpush v0, $0x1  }
0x50: {  	v6 =	vpop (erf);
	(v2sf) =	vpush v0, $0x2  }
0x51: {  	v11 =	vadd.f32 v12, v11;
	v7 =	vpop (erf);
	(v2sf) =	vpush v0, $0x3  }
0x52: {  	v10 =	vpop (erf);
	(v2sf) =	vpush v0, $0x4  }
0x53: {  	v11 =	vadd.f32 v7, v11;
	v12 =	vpop (erf);
	(v2sf) =	vpush v0, $0x5  }
0x54: {  	v13 =	vadd.f32 v12, v13;
	(v2sf) =	vpush v0, $0x6  }
0x55: {  	v11 =	vadd.f32 v10, v11;
	v15 =	vpop (erf);
	(v2sf) =	vpush v0, $0x7  }
0x56: {  	v13 =	vadd.f32 v3, v13;
	v16 =	vpop (erf);
	(v2sf) =	vpush v0, $0x8  }
0x57: {  	v11 =	vadd.f32 v6, v11;
	v17 =	vpop (erf);
	(v2sf) =	vpush v0, $0x9  }
0x58: {  	v13 =	vadd.f32 v17, v13;
	(v2sf) =	vpush v0, $0xA  }
0x59: {  	v11 =	vadd.f32 v16, v11;
	(v2sf) =	vpush v0, $0xB  }
0x5a: {  	v13 =	vadd.f32 v15, v13;
	(v2sf) =	vpush v0, $0xC  }
0x5b: {  	(v2sf) =	vpush v0, $0xD  }
0x5c: {  	v11 =	vadd.f32 v11, v13;
	(v2sf) =	vpush v0, $0xE  }
0x5d: {  	s3 =	spop (v2sf);
	(v2sf) =	vpush v0, $0xF  }
0x5e: {  	s5 =	spop (v2sf);
	(v2sf) =	vpush v11, $0x0  }
0x5f: {  	s6 =	spop (v2sf);
	(v2sf) =	vpush v11, $0x1  }
0x60: {  	s7 =	spop (v2sf);
	(v2sf) =	vpush v11, $0x2  }
0x61: {  	v0 =	vmul.f32 v7, v7;
	s8 =	spop (v2sf);
	(v2sf) =	vpush v11, $0x3  }
0x62: {  	v7 =	vadd.f32 v9, v14;
	v9 =	vmul.f32 v12, v12;
	s9 =	spop (v2sf);
	(v2sf) =	vpush v11, $0x4  }
0x63: {  	v10 =	vmul.f32 v10, v10;
	v0 =	vadd.f32 v0, v8;
	s10 =	spop (v2sf);
	(v2sf) =	vpush v11, $0x5  }
0x64: {  	v3 =	vmul.f32 v3, v3;
	v7 =	vadd.f32 v9, v7;
	s11 =	spop (v2sf);
	(v2sf) =	vpush v11, $0x6  }
0x65: {  	v6 =	vmul.f32 v6, v6;
	v0 =	vadd.f32 v10, v0;
	s12 =	spop (v2sf);
	(v2sf) =	vpush v11, $0x7  }
0x66: {  	v3 =	vadd.f32 v3, v7;
	v7 =	vmul.f32 v17, v17;
	s13 =	spop (v2sf);
	(v2sf) =	vpush v11, $0x8  }
0x67: {  	v0 =	vadd.f32 v6, v0;
	v6 =	vmul.f32 v16, v16;
	s14 =	spop (v2sf);
	(v2sf) =	vpush v11, $0x9  }
0x68: {  	v8 =	vmul.f32 v15, v15;
	v3 =	vadd.f32 v7, v3;
	s15 =	spop (v2sf);
	(v2sf) =	vpush v11, $0xA  }
0x69: {  	v0 =	vadd.f32 v6, v0;
	s16 =	spop (v2sf);
	(v2sf) =	vpush v11, $0xB  }
0x6a: {  	v3 =	vadd.f32 v8, v3;
	s17 =	spop (v2sf);
	(v2sf) =	vpush v11, $0xC  }
0x6b: {  	s18 =	spop (v2sf);
	(v2sf) =	vpush v11, $0xD  }
0x6c: {  	v0 =	vadd.f32 v0, v3;
	s19 =	spop (v2sf);
	(v2sf) =	vpush v11, $0xE  }
0x6d: {  	s4 =	spop (v2sf);
	(v2sf) =	vpush v11, $0xF  }
0x6e: {  	s20 =	spop (v2sf);
	(v2sf) =	vpush v0, $0x0  }
0x6f: {  	s21 =	spop (v2sf);
	(v2sf) =	vpush v0, $0x1  }
0x70: {  	s4 =	sadd.f32 s20, s4;
	s22 =	spop (v2sf)  }
0x71: {  	(v2sf) =	vpush v0, $0x2;
	s29 =	spop (v2sf)  }
0x72: {  	s4 =	sadd.f32 s4, s21;
	s23 =	spop (v2sf)  }
0x73: {  	(v2sf) =	vpush v0, $0x3;
	s30 =	spop (v2sf)  }
0x74: {  	s4 =	sadd.f32 s4, s22;
	s24 =	spop (v2sf)  }
0x75: {  	(v2sf) =	vpush v0, $0x4;
	s31 =	spop (v2sf)  }
0x76: {  	s4 =	sadd.f32 s4, s29;
	s25 =	spop (v2sf)  }
0x77: {  	(v2sf) =	vpush v0, $0x5;
	s20 =	spop (v2sf)  }
0x78: {  	s4 =	sadd.f32 s4, s23;
	s26 =	spop (v2sf)  }
0x79: {  	(v2sf) =	vpush v0, $0x6;
	s23 =	spop (v2sf)  }
0x7a: {  	s4 =	sadd.f32 s4, s30;
	s28 =	spop (v2sf)  }
0x7b: {  	s21 =	spop (v2sf);
	(v2sf) =	vpush v0, $0x7  }
0x7c: {  	s4 =	sadd.f32 s4, s24;
	s29 =	spop (v2sf)  }
0x7d: {  	(v2sf) =	vpush v0, $0x8;
	s30 =	spop (v2sf)  }
0x7e: {  	s4 =	sadd.f32 s4, s31;
	s31 =	spop (v2sf)  }
0x7f: {  	(v2sf) =	vpush v0, $0x9;
	s22 =	sadd.f32 s31, s30  }
0x80: {  	s4 =	sadd.f32 s4, s25;
	s30 =	spop (v2sf)  }
0x81: {  	(v2sf) =	vpush v0, $0xA;
	s22 =	sadd.f32 s22, s30  }
0x82: {  	s31 =	spop (v2sf);
	s4 =	sadd.f32 s4, s20  }
0x83: {  	(v2sf) =	vpush v0, $0xB;
	s20 =	sadd.f32 s22, s31  }
0x84: {  	s24 =	spop (v2sf);
	s4 =	sadd.f32 s4, s26  }
0x85: {  	(v2sf) =	vpush v0, $0xC;
	s20 =	sadd.f32 s20, s24  }
0x86: {  	s25 =	spop (v2sf);
	s4 =	sadd.f32 s4, s23  }
0x87: {  	(v2sf) =	vpush v0, $0xD;
	s20 =	sadd.f32 s20, s25  }
0x88: {  	s26 =	spop (v2sf);
	s4 =	sadd.f32 s4, s28  }
0x89: {  	(v2sf) =	vpush v0, $0xE;
	s20 =	sadd.f32 s20, s26  }
0x8a: {  	s4 =	sadd.f32 s4, s21;
	s28 =	spop (v2sf)  }
0x8b: {  	(v2sf) =	vpush v0, $0xF;
	s21 =	sadd.f32 s20, s28  }
0x8c: {  	s29 =	sadd.f32 s4, s29;
	s30 =	spop (v2sf)  }
0x8d: {  	s4 =	sadd.f32 s21, s30  }
0x8e: {  	s31 =	spop (v2sf);
	v0 =	vmov s29  }
0x8f: {  	(erf) = vrcp.f32 v0;
	s4 =	sadd.f32 s4, s31  }
0x90: {  	s22 =	spop (v2sf)  }
0x91: {  	s4 =	sadd.f32 s4, s22  }
0x92: {  	s23 =	spop (v2sf)  }
0x93: {  	s4 =	sadd.f32 s4, s23  }
0x94: {  	s24 =	spop (v2sf)  }
0x95: {  	s4 =	sadd.f32 s4, s24  }
0x96: {  	s25 =	spop (v2sf)  }
0x97: {  	s4 =	sadd.f32 s4, s25  }
0x98: {  	s26 =	spop (v2sf);
	v3 =	vpop (erf)  }
0x99: {  	v3 =	vmul.f32 $6.400000000e+01, v3;
	s4 =	sadd.f32 s4, s26  }
0x9a: {  	s28 =	spop (v2sf)  }
0x9b: {  	v6 =	vadd.f32 v3, v3;
	s4 =	sadd.f32 s4, s28;
	_ =	sdelay $0x1  }
0x9c: {  	v7 =	vmul.f32 s4, v6;
	_ =	sdelay $0x1  }
0x9d: {  	v8 =	vmul.f32 $2.500000000e-01, v0;
	v7 =	vsub.f32 s29, v7;
	_ =	sdelay $0x1  }
0x9e: {  	v7 =	vmax.f32 v7, v8  }
0x9f: {  	(erf) = vrcp.f32 v7;
	_ =	sdelay $0x1  }
0xa0: {  	v7 =	vmul.f32 v3, v3;
	_ =	sdelay $0x1  }
0xa1: {  	v9 =	vmul.f32 s29, v3;
	v7 =	vmul.f32 s4, v7;
	_ =	sdelay $0x1  }
0xa2: {  	v7 =	vsub.f32 v9, v7;
	_ =	sdelay $0x1  }
0xa3: {  	v7 =	vadd.f32 $-6.400000000e+01, v7  }
0xa4: {  	v9 =	vpop (erf)  }
0xa5: {  	v7 =	vmul.f32 v9, v7;
	_ =	sdelay $0x1  }
0xa6: {  	v7 =	vsub.f32 v3, v7;
	_ =	sdelay $0x1  }
0xa7: {  	v7 =	vmax.f32 v7, v3  }
0xa8: {  	v7 =	vmin.f32 v7, v6  }
0xa9: {  	v9 =	vadd.f32 v7, v7;
	_ =	sdelay $0x1  }
0xaa: {  	v9 =	vmul.f32 s4, v9;
	_ =	sdelay $0x1  }
0xab: {  	v9 =	vsub.f32 s29, v9;
	_ =	sdelay $0x1  }
0xac: {  	v9 =	vmax.f32 v9, v8  }
0xad: {  	(erf) = vrcp.f32 v9;
	_ =	sdelay $0x1  }
0xae: {  	v9 =	vmul.f32 v7, v7;
	_ =	sdelay $0x1  }
0xaf: {  	v10 =	vmul.f32 s29, v7;
	v9 =	vmul.f32 s4, v9;
	_ =	sdelay $0x1  }
0xb0: {  	v9 =	vsub.f32 v10, v9;
	_ =	sdelay $0x1  }
0xb1: {  	v9 =	vadd.f32 $-6.400000000e+01, v9  }
0xb2: {  	v10 =	vpop (erf)  }
0xb3: {  	v9 =	vmul.f32 v10, v9;
	_ =	sdelay $0x1  }
0xb4: {  	v7 =	vsub.f32 v7, v9;
	_ =	sdelay $0x1  }
0xb5: {  	v7 =	vmax.f32 v7, v3  }
0xb6: {  	v7 =	vmin.f32 v7, v6  }
0xb7: {  	v9 =	vadd.f32 v7, v7;
	_ =	sdelay $0x1  }
0xb8: {  	v9 =	vmul.f32 s4, v9;
	_ =	sdelay $0x1  }
0xb9: {  	v9 =	vsub.f32 s29, v9;
	_ =	sdelay $0x1  }
0xba: {  	v9 =	vmax.f32 v9, v8  }
0xbb: {  	(erf) = vrcp.f32 v9;
	_ =	sdelay $0x1  }
0xbc: {  	v9 =	vmul.f32 v7, v7;
	_ =	sdelay $0x1  }
0xbd: {  	v10 =	vmul.f32 s29, v7;
	v9 =	vmul.f32 s4, v9  }
0xbe: {  	s3 =	smax.f32 s3, s5  }
0xbf: {  	s3 =	smax.f32 s3, s6;
	v9 =	vsub.f32 v10, v9  }
0xc0: {  	s3 =	smax.f32 s3, s7  }
0xc1: {  	s3 =	smax.f32 s3, s8;
	v9 =	vadd.f32 $-6.400000000e+01, v9  }
0xc2: {  	s3 =	smax.f32 s3, s9;
	v10 =	vpop (erf)  }
0xc3: {  	s3 =	smax.f32 s3, s10;
	v9 =	vmul.f32 v10, v9  }
0xc4: {  	s3 =	smax.f32 s3, s11  }
0xc5: {  	s3 =	smax.f32 s3, s12;
	v7 =	vsub.f32 v7, v9  }
0xc6: {  	s3 =	smax.f32 s3, s13  }
0xc7: {  	s3 =	smax.f32 s3, s14;
	v7 =	vmax.f32 v7, v3  }
0xc8: {  	s3 =	smax.f32 s3, s15;
	v7 =	vmin.f32 v7, v6  }
0xc9: {  	s3 =	smax.f32 s3, s16;
	v9 =	vadd.f32 v7, v7  }
0xca: {  	s3 =	smax.f32 s3, s17  }
0xcb: {  	s3 =	smax.f32 s3, s18;
	v9 =	vmul.f32 s4, v9  }
0xcc: {  	s3 =	smax.f32 s3, s19  }
0xcd: {  	v10 =	vmov s3;
	v9 =	vsub.f32 s29, v9  }
0xce: {  	v10 =	vsub.f32 $1.700000000e+01, v10  }
0xcf: {  	v8 =	vmax.f32 v9, v8  }
0xd0: {  	(erf) = vrcp.f32 v8;
	v8 =	vbroadcast v10, $0x0;
	_ =	sdelay $0x1  }
0xd1: {  	v9 =	vmul.f32 v7, v7;
	v10 =	vsub.f32 $0.0e+00, v8  }
0xd2: {  	v11 =	vmul.f32 s29, v7  }
0xd3: {  	v9 =	vmul.f32 s4, v9;
	v10 =	vmul.f32 $1.442695020e+00, v10;
	_ =	sdelay $0x1  }
0xd4: {  	v9 =	vsub.f32 v11, v9;
	(erf) = vpow2.f32 v10;
	_ =	sdelay $0x1  }
0xd5: {  	v9 =	vadd.f32 $-6.400000000e+01, v9  }
0xd6: {  	v10 =	vpop (erf)  }
0xd7: {  	v9 =	vmul.f32 v10, v9;
	_ =	sdelay $0x1  }
0xd8: {  	v7 =	vsub.f32 v7, v9;
	_ =	sdelay $0x1  }
0xd9: {  	v3 =	vmax.f32 v7, v3  }
0xda: {  	v3 =	vmin.f32 v3, v6;
	v6 =	vpop (erf)  }
0xdb: {  	v7 =	vadd.f32 $-1.000000000e+00, v8;
	v6 =	vmul.f32 v3, v6;
	_ =	sdelay $0x1  }
0xdc: {  	v6 =	vadd.f32 v6, v7;
	_ =	sdelay $0x1  }
0xdd: {  	v7 =	vsub.f32 $0.0e+00, v6;
	_ =	sdelay $0x1  }
0xde: {  	v7 =	vmul.f32 $1.442695020e+00, v7;
	_ =	sdelay $0x1  }
0xdf: {  	(erf) = vpow2.f32 v7;
	_ =	sdelay $0x8  }
0xe0: {  	v7 =	vpop (erf)  }
0xe1: {  	v6 =	vadd.f32 $-1.000000000e+00, v6;
	v7 =	vmul.f32 v7, v3;
	_ =	sdelay $0x1  }
0xe2: {  	v6 =	vadd.f32 v7, v6;
	_ =	sdelay $0x1  }
0xe3: {  	v7 =	vsub.f32 $0.0e+00, v6;
	_ =	sdelay $0x1  }
0xe4: {  	v7 =	vmul.f32 $1.442695020e+00, v7;
	_ =	sdelay $0x1  }
0xe5: {  	(erf) = vpow2.f32 v7;
	_ =	sdelay $0x8  }
0xe6: {  	v7 =	vpop (erf)  }
0xe7: {  	v6 =	vadd.f32 $-1.000000000e+00, v6;
	v7 =	vmul.f32 v7, v3;
	_ =	sdelay $0x1  }
0xe8: {  	v6 =	vadd.f32 v7, v6;
	_ =	sdelay $0x1  }
0xe9: {  	v7 =	vsub.f32 $0.0e+00, v6;
	_ =	sdelay $0x1  }
0xea: {  	v7 =	vmul.f32 $1.442695020e+00, v7;
	_ =	sdelay $0x1  }
0xeb: {  	(erf) = vpow2.f32 v7;
	_ =	sdelay $0x8  }
0xec: {  	v7 =	vpop (erf)  }
0xed: {  	v6 =	vadd.f32 $-1.000000000e+00, v6;
	v7 =	vmul.f32 v7, v3;
	_ =	sdelay $0x1  }
0xee: {  	v6 =	vadd.f32 v7, v6;
	_ =	sdelay $0x1  }
0xef: {  	v7 =	vsub.f32 $0.0e+00, v6;
	_ =	sdelay $0x1  }
0xf0: {  	v7 =	vmul.f32 $1.442695020e+00, v7;
	_ =	sdelay $0x1  }
0xf1: {  	(erf) = vpow2.f32 v7;
	_ =	sdelay $0x8  }
0xf2: {  	v7 =	vpop (erf)  }
0xf3: {  	v6 =	vadd.f32 $-1.000000000e+00, v6;
	v7 =	vmul.f32 v7, v3;
	_ =	sdelay $0x1  }
0xf4: {  	v6 =	vadd.f32 v7, v6;
	_ =	sdelay $0x1  }
0xf5: {  	v7 =	vsub.f32 $0.0e+00, v6;
	_ =	sdelay $0x1  }
0xf6: {  	v7 =	vmul.f32 $1.442695020e+00, v7;
	_ =	sdelay $0x1  }
0xf7: {  	(erf) = vpow2.f32 v7;
	_ =	sdelay $0x8  }
0xf8: {  	v7 =	vpop (erf)  }
0xf9: {  	v6 =	vadd.f32 $-1.000000000e+00, v6;
	v7 =	vmul.f32 v7, v3;
	_ =	sdelay $0x1  }
0xfa: {  	v6 =	vadd.f32 v7, v6;
	_ =	sdelay $0x1  }
0xfb: {  	v7 =	vsub.f32 $0.0e+00, v6;
	_ =	sdelay $0x1  }
0xfc: {  	v7 =	vmul.f32 $1.442695020e+00, v7;
	_ =	sdelay $0x1  }
0xfd: {  	(erf) = vpow2.f32 v7;
	_ =	sdelay $0x8  }
0xfe: {  	v7 =	vpop (erf)  }
0xff: {  	v6 =	vadd.f32 $-1.000000000e+00, v6;
	v7 =	vmul.f32 v7, v3;
	_ =	sdelay $0x1  }
0x100: {  	v6 =	vadd.f32 v7, v6;
	_ =	sdelay $0x1  }
0x101: {  	v7 =	vsub.f32 $0.0e+00, v6;
	_ =	sdelay $0x1  }
0x102: {  	v7 =	vmul.f32 $1.442695020e+00, v7;
	_ =	sdelay $0x1  }
0x103: {  	(erf) = vpow2.f32 v7;
	_ =	sdelay $0x8  }
0x104: {  	v7 =	vpop (erf)  }
0x105: {  	v6 =	vadd.f32 $-1.000000000e+00, v6;
	v7 =	vmul.f32 v7, v3;
	_ =	sdelay $0x1  }
0x106: {  	v6 =	vadd.f32 v7, v6;
	_ =	sdelay $0x1  }
0x107: {  	v7 =	vsub.f32 $0.0e+00, v6;
	_ =	sdelay $0x1  }
0x108: {  	v7 =	vmul.f32 $1.442695020e+00, v7;
	_ =	sdelay $0x1  }
0x109: {  	(erf) = vpow2.f32 v7;
	_ =	sdelay $0x8  }
0x10a: {  	v7 =	vpop (erf)  }
0x10b: {  	v6 =	vadd.f32 $-1.000000000e+00, v6;
	v7 =	vmul.f32 v7, v3;
	_ =	sdelay $0x1  }
0x10c: {  	v6 =	vadd.f32 v7, v6;
	_ =	sdelay $0x1  }
0x10d: {  	v7 =	vsub.f32 $0.0e+00, v6;
	_ =	sdelay $0x1  }
0x10e: {  	v7 =	vmul.f32 $1.442695020e+00, v7;
	_ =	sdelay $0x1  }
0x10f: {  	(erf) = vpow2.f32 v7;
	_ =	sdelay $0x8  }
0x110: {  	v7 =	vpop (erf)  }
0x111: {  	v6 =	vadd.f32 $-1.000000000e+00, v6;
	v7 =	vmul.f32 v7, v3;
	_ =	sdelay $0x1  }
0x112: {  	v6 =	vadd.f32 v7, v6;
	_ =	sdelay $0x1  }
0x113: {  	v7 =	vsub.f32 $0.0e+00, v6;
	_ =	sdelay $0x1  }
0x114: {  	v7 =	vmul.f32 $1.442695020e+00, v7;
	_ =	sdelay $0x1  }
0x115: {  	(erf) = vpow2.f32 v7;
	_ =	sdelay $0x8  }
0x116: {  	v7 =	vpop (erf)  }
0x117: {  	v6 =	vadd.f32 $-1.000000000e+00, v6;
	v7 =	vmul.f32 v7, v3;
	_ =	sdelay $0x1  }
0x118: {  	v6 =	vadd.f32 v7, v6;
	_ =	sdelay $0x1  }
0x119: {  	v7 =	vsub.f32 $0.0e+00, v6;
	_ =	sdelay $0x1  }
0x11a: {  	v7 =	vmul.f32 $1.442695020e+00, v7;
	_ =	sdelay $0x1  }
0x11b: {  	(erf) = vpow2.f32 v7;
	_ =	sdelay $0x8  }
0x11c: {  	v7 =	vpop (erf)  }
0x11d: {  	v6 =	vadd.f32 $-1.000000000e+00, v6;
	v7 =	vmul.f32 v7, v3;
	_ =	sdelay $0x1  }
0x11e: {  	v6 =	vadd.f32 v7, v6;
	_ =	sdelay $0x1  }
0x11f: {  	v7 =	vsub.f32 $0.0e+00, v6;
	_ =	sdelay $0x1  }
0x120: {  	v7 =	vmul.f32 $1.442695020e+00, v7;
	_ =	sdelay $0x1  }
0x121: {  	(erf) = vpow2.f32 v7;
	_ =	sdelay $0x8  }
0x122: {  	v7 =	vpop (erf)  }
0x123: {  	v6 =	vadd.f32 $-1.000000000e+00, v6;
	v7 =	vmul.f32 v7, v3;
	_ =	sdelay $0x1  }
0x124: {  	v6 =	vadd.f32 v7, v6;
	_ =	sdelay $0x1  }
0x125: {  	v7 =	vsub.f32 $0.0e+00, v6;
	_ =	sdelay $0x1  }
0x126: {  	v7 =	vmul.f32 $1.442695020e+00, v7;
	_ =	sdelay $0x1  }
0x127: {  	(erf) = vpow2.f32 v7;
	_ =	sdelay $0x8  }
0x128: {  	v7 =	vpop (erf)  }
0x129: {  	v6 =	vadd.f32 $-1.000000000e+00, v6;
	v7 =	vmul.f32 v7, v3;
	_ =	sdelay $0x1  }
0x12a: {  	v6 =	vadd.f32 v7, v6;
	_ =	sdelay $0x1  }
0x12b: {  	v7 =	vsub.f32 $0.0e+00, v6;
	_ =	sdelay $0x1  }
0x12c: {  	v7 =	vmul.f32 $1.442695020e+00, v7;
	_ =	sdelay $0x1  }
0x12d: {  	(erf) = vpow2.f32 v7;
	_ =	sdelay $0x8  }
0x12e: {  	v7 =	vpop (erf)  }
0x12f: {  	v6 =	vadd.f32 $-1.000000000e+00, v6;
	v7 =	vmul.f32 v7, v3;
	_ =	sdelay $0x1  }
0x130: {  	v6 =	vadd.f32 v7, v6;
	_ =	sdelay $0x1  }
0x131: {  	v7 =	vsub.f32 $0.0e+00, v6;
	_ =	sdelay $0x1  }
0x132: {  	v7 =	vmul.f32 $1.442695020e+00, v7;
	_ =	sdelay $0x1  }
0x133: {  	(erf) = vpow2.f32 v7;
	_ =	sdelay $0x8  }
0x134: {  	v7 =	vpop (erf)  }
0x135: {  	v6 =	vadd.f32 $-1.000000000e+00, v6;
	v7 =	vmul.f32 v7, v3;
	_ =	sdelay $0x1  }
0x136: {  	v6 =	vadd.f32 v7, v6;
	_ =	sdelay $0x1  }
0x137: {  	v7 =	vsub.f32 $0.0e+00, v6;
	_ =	sdelay $0x1  }
0x138: {  	v7 =	vmul.f32 $1.442695020e+00, v7;
	_ =	sdelay $0x1  }
0x139: {  	(erf) = vpow2.f32 v7;
	_ =	sdelay $0x8  }
0x13a: {  	v7 =	vpop (erf)  }
0x13b: {  	v6 =	vadd.f32 $-1.000000000e+00, v6;
	v7 =	vmul.f32 v7, v3;
	_ =	sdelay $0x1  }
0x13c: {  	v6 =	vadd.f32 v7, v6;
	_ =	sdelay $0x1  }
0x13d: {  	v7 =	vsub.f32 $0.0e+00, v6;
	_ =	sdelay $0x1  }
0x13e: {  	v7 =	vmul.f32 $1.442695020e+00, v7;
	_ =	sdelay $0x1  }
0x13f: {  	(erf) = vpow2.f32 v7;
	_ =	sdelay $0x8  }
0x140: {  	v7 =	vpop (erf)  }
0x141: {  	v6 =	vadd.f32 $-1.000000000e+00, v6;
	v7 =	vmul.f32 v7, v3;
	_ =	sdelay $0x1  }
0x142: {  	v6 =	vadd.f32 v7, v6;
	_ =	sdelay $0x1  }
0x143: {  	v7 =	vsub.f32 $0.0e+00, v6;
	_ =	sdelay $0x1  }
0x144: {  	v7 =	vmul.f32 $1.442695020e+00, v7;
	_ =	sdelay $0x1  }
0x145: {  	(erf) = vpow2.f32 v7;
	_ =	sdelay $0x8  }
0x146: {  	v7 =	vpop (erf)  }
0x147: {  	v6 =	vadd.f32 $-1.000000000e+00, v6;
	v7 =	vmul.f32 v7, v3;
	_ =	sdelay $0x1  }
0x148: {  	v6 =	vadd.f32 v7, v6;
	_ =	sdelay $0x1  }
0x149: {  	v7 =	vsub.f32 $0.0e+00, v6;
	_ =	sdelay $0x1  }
0x14a: {  	v7 =	vmul.f32 $1.442695020e+00, v7;
	_ =	sdelay $0x1  }
0x14b: {  	(erf) = vpow2.f32 v7;
	_ =	sdelay $0x8  }
0x14c: {  	v7 =	vpop (erf)  }
0x14d: {  	v6 =	vadd.f32 $-1.000000000e+00, v6;
	v7 =	vmul.f32 v7, v3;
	_ =	sdelay $0x1  }
0x14e: {  	v6 =	vadd.f32 v7, v6;
	_ =	sdelay $0x1  }
0x14f: {  	v7 =	vsub.f32 $0.0e+00, v6;
	_ =	sdelay $0x1  }
0x150: {  	v7 =	vmul.f32 $1.442695020e+00, v7;
	_ =	sdelay $0x1  }
0x151: {  	(erf) = vpow2.f32 v7;
	_ =	sdelay $0x8  }
0x152: {  	v7 =	vpop (erf)  }
0x153: {  	v6 =	vadd.f32 $-1.000000000e+00, v6;
	v7 =	vmul.f32 v7, v3;
	_ =	sdelay $0x1  }
0x154: {  	v6 =	vadd.f32 v7, v6;
	_ =	sdelay $0x1  }
0x155: {  	v7 =	vsub.f32 $0.0e+00, v6;
	_ =	sdelay $0x1  }
0x156: {  	v7 =	vmul.f32 $1.442695020e+00, v7;
	_ =	sdelay $0x1  }
0x157: {  	(erf) = vpow2.f32 v7;
	_ =	sdelay $0x8  }
0x158: {  	v7 =	vpop (erf)  }
0x159: {  	v6 =	vadd.f32 $-1.000000000e+00, v6;
	v7 =	vmul.f32 v7, v3;
	_ =	sdelay $0x1  }
0x15a: {  	v6 =	vadd.f32 v7, v6;
	_ =	sdelay $0x1  }
0x15b: {  	v7 =	vsub.f32 $0.0e+00, v6;
	_ =	sdelay $0x1  }
0x15c: {  	v7 =	vmul.f32 $1.442695020e+00, v7;
	_ =	sdelay $0x1  }
0x15d: {  	(erf) = vpow2.f32 v7;
	_ =	sdelay $0x8  }
0x15e: {  	v7 =	vpop (erf)  }
0x15f: {  	v6 =	vadd.f32 $-1.000000000e+00, v6;
	v7 =	vmul.f32 v7, v3;
	_ =	sdelay $0x1  }
0x160: {  	v6 =	vadd.f32 v7, v6;
	_ =	sdelay $0x1  }
0x161: {  	v7 =	vsub.f32 $0.0e+00, v6;
	_ =	sdelay $0x1  }
0x162: {  	v7 =	vmul.f32 $1.442695020e+00, v7;
	_ =	sdelay $0x1  }
0x163: {  	(erf) = vpow2.f32 v7;
	_ =	sdelay $0x8  }
0x164: {  	v7 =	vpop (erf)  }
0x165: {  	v6 =	vadd.f32 $-1.000000000e+00, v6;
	v7 =	vmul.f32 v7, v3;
	_ =	sdelay $0x1  }
0x166: {  	v6 =	vadd.f32 v7, v6;
	_ =	sdelay $0x1  }
0x167: {  	v7 =	vsub.f32 $0.0e+00, v6;
	_ =	sdelay $0x1  }
0x168: {  	v7 =	vmul.f32 $1.442695020e+00, v7;
	_ =	sdelay $0x1  }
0x169: {  	(erf) = vpow2.f32 v7;
	_ =	sdelay $0x8  }
0x16a: {  	v7 =	vpop (erf)  }
0x16b: {  	v6 =	vadd.f32 $-1.000000000e+00, v6;
	v7 =	vmul.f32 v7, v3;
	_ =	sdelay $0x1  }
0x16c: {  	v6 =	vadd.f32 v7, v6;
	_ =	sdelay $0x1  }
0x16d: {  	v7 =	vsub.f32 $0.0e+00, v6;
	_ =	sdelay $0x1  }
0x16e: {  	v7 =	vmul.f32 $1.442695020e+00, v7;
	_ =	sdelay $0x1  }
0x16f: {  	(erf) = vpow2.f32 v7;
	_ =	sdelay $0x8  }
0x170: {  	v7 =	vpop (erf)  }
0x171: {  	s29 =	simm.s32 $0x0;
	v6 =	vadd.f32 $-1.000000000e+00, v6;
	v7 =	vmul.f32 v7, v3  }
0x172: {  	v8 =	vld [tilespmem:s29+$0x60]  }
0x173: {  	v6 =	vadd.f32 v7, v6;
	v7 =	vld [tilespmem:s29+$0x20];
	_ =	sdelay $0x1  }
0x174: {  	v9 =	vld [tilespmem:s29+$0x0];
	v6 =	vadd.f32 $-1.200000000e+01, v6;
	_ =	sdelay $0x1  }
0x175: {  	v10 =	vld [tilespmem:s29+$0x30];
	v8 =	vadd.f32 v8, v6  }
0x176: {  	v11 =	vld [tilespmem:s29+$0x10];
	v7 =	vadd.f32 v7, v6  }
0x177: {  	v8 =	vsub.f32 $0.0e+00, v8  }
0x178: {  	v9 =	vadd.f32 v9, v6;
	v7 =	vsub.f32 $0.0e+00, v7  }
0x179: {  	v8 =	vmul.f32 $1.442695020e+00, v8  }
0x17a: {  	v12 =	vld [tilespmem:s29+$0x70];
	v10 =	vadd.f32 v10, v6;
	v9 =	vsub.f32 $0.0e+00, v9;
	v7 =	vmul.f32 $1.442695020e+00, v7  }
0x17b: {  	v11 =	vadd.f32 v11, v6;
	(erf) = vpow2.f32 v8  }
0x17c: {  	v8 =	vmul.f32 $1.442695020e+00, v9;
	(erf) = vpow2.f32 v7;
	v7 =	vsub.f32 $0.0e+00, v10;
	v10 =	vld [tilespmem:s29+$0x50]  }
0x17d: {  	s30 =	simm.s32 $0x80;
	v9 =	vld [tilespmem:s29+$0x40]  }
0x17e: {  	(erf) = vpow2.f32 v8;
	v8 =	vsub.f32 $0.0e+00, v11;
	v11 =	vld [tilespmem:s30+$0x60]  }
0x17f: {  	v1 =	vmin.f32 v5, v1;
	v5 =	vadd.f32 v12, v6;
	v12 =	vld [tilespmem:s30+$0x20];
	v7 =	vmul.f32 $1.442695020e+00, v7  }
0x180: {  	v8 =	vmul.f32 $1.442695020e+00, v8  }
0x181: {  	v5 =	vsub.f32 $0.0e+00, v5;
	(erf) = vpow2.f32 v7;
	v7 =	vadd.f32 v10, v6  }
0x182: {  	v1 =	vmin.f32 v1, v4;
	v4 =	vadd.f32 v9, v6;
	(erf) = vpow2.f32 v8  }
0x183: {  	v5 =	vmul.f32 $1.442695020e+00, v5;
	v11 =	vadd.f32 v11, v6;
	v7 =	vsub.f32 $0.0e+00, v7  }
0x184: {  	v12 =	vadd.f32 v12, v6;
	v10 =	vld [tilespmem:s30+$0x0];
	v4 =	vsub.f32 $0.0e+00, v4  }
0x185: {  	v13 =	vld [tilespmem:s30+$0x30];
	(erf) = vpow2.f32 v5;
	v9 =	vpop (erf);
	v5 =	vmul.f32 $1.442695020e+00, v7;
	v7 =	vsub.f32 $0.0e+00, v11  }
0x186: {  	v12 =	vsub.f32 $0.0e+00, v12;
	v4 =	vmul.f32 $1.442695020e+00, v4;
	v14 =	vpop (erf);
	v11 =	vld [tilespmem:s30+$0x10]  }
0x187: {  	v15 =	vpop (erf);
	v7 =	vmul.f32 $1.442695020e+00, v7  }
0x188: {  	v8 =	vld [tilespmem:s30+$0x70];
	(erf) = vpow2.f32 v4;
	v4 =	vadd.f32 $1.000000000e+00, v15  }
0x189: {  	v15 =	vld [tilespmem:s30+$0x40];
	(erf) = vpow2.f32 v5;
	v5 =	vadd.f32 v10, v6  }
0x18a: {  	v10 =	vadd.f32 v13, v6;
	(erf) = vrcp.f32 v4;
	v4 =	vmul.f32 $1.442695020e+00, v12;
	v12 =	vpop (erf)  }
0x18b: {  	v5 =	vsub.f32 $0.0e+00, v5;
	(erf) = vpow2.f32 v7;
	v11 =	vadd.f32 v11, v6;
	v7 =	vpop (erf)  }
0x18c: {  	(erf) = vpow2.f32 v4;
	v4 =	vadd.f32 $1.000000000e+00, v7;
	v7 =	vsub.f32 $0.0e+00, v10;
	v10 =	vld [tilespmem:s30+$0x50]  }
0x18d: {  	v16 =	vimm.f32 $0.0e+00;
	v8 =	vadd.f32 v8, v6;
	v11 =	vsub.f32 $0.0e+00, v11  }
0x18e: {  	s31 =	simm.s32 $0x100;
	v5 =	vmul.f32 $1.442695020e+00, v5;
	v13 =	vadd.f32 v15, v6;
	v7 =	vmul.f32 $1.442695020e+00, v7  }
0x18f: {  	v17 =	vld [tilespmem:s31+$0x70];
	v8 =	vsub.f32 $0.0e+00, v8;
	(erf) = vrcp.f32 v4;
	v11 =	vmul.f32 $1.442695020e+00, v11  }
0x190: {  	v13 =	vsub.f32 $0.0e+00, v13;
	(erf) = vpow2.f32 v5;
	v5 =	vadd.f32 $1.000000000e+00, v12;
	v12 =	vld [tilespmem:s31+$0x60];
	v4 =	vpop (erf)  }
0x191: {  	v8 =	vmul.f32 $1.442695020e+00, v8;
	(erf) = vpow2.f32 v7;
	v15 =	vpop (erf);
	v10 =	vadd.f32 v10, v6  }
0x192: {  	v14 =	vadd.f32 $1.000000000e+00, v14;
	v13 =	vmul.f32 $1.442695020e+00, v13;
	(erf) = vpow2.f32 v11;
	v7 =	vpop (erf)  }
0x193: {  	v18 =	vld [tilespmem:s31+$0x30];
	v20 =	vadd.f32 $1.000000000e+00, v4;
	(erf) = vrcp.f32 v5;
	v11 =	vpop (erf);
	v10 =	vsub.f32 $0.0e+00, v10  }
0x194: {  	v21 =	vld [tilespmem:s31+$0x20];
	(erf) = vpow2.f32 v8;
	v8 =	vadd.f32 $1.000000000e+00, v15;
	v4 =	vadd.f32 v11, v16  }
0x195: {  	v15 =	vld [tilespmem:s31+$0x0];
	(erf) = vrcp.f32 v14;
	v11 =	vadd.f32 v12, v6;
	v12 =	vadd.f32 v17, v6  }
0x196: {  	v19 =	vadd.f32 $1.000000000e+00, v7;
	v5 =	vpop (erf);
	(erf) = vrcp.f32 v20  }
0x197: {  	v9 =	vadd.f32 $1.000000000e+00, v9;
	v7 =	vpop (erf);
	v10 =	vmul.f32 $1.442695020e+00, v10;
	(erf) = vpow2.f32 v13  }
0x198: {  	v13 =	vadd.f32 v18, v6;
	v11 =	vsub.f32 $0.0e+00, v11;
	v14 =	vpop (erf);
	(erf) = vrcp.f32 v19  }
0x199: {  	v17 =	vld [tilespmem:s31+$0x10];
	v18 =	vadd.f32 v21, v6;
	v19 =	vsub.f32 $0.0e+00, v12;
	v12 =	vpop (erf);
	(erf) = vrcp.f32 v8  }
0x19a: {  	v8 =	vadd.f32 v15, v6;
	v12 =	vadd.f32 $1.000000000e+00, v12;
	v22 =	vpop (erf);
	(erf) = vrcp.f32 v9  }
0x19b: {  	v20 =	vld [tilespmem:s31+$0x40];
	v11 =	vmul.f32 $1.442695020e+00, v11;
	v9 =	vsub.f32 $0.0e+00, v18;
	(erf) = vpow2.f32 v10  }
0x19c: {  	v13 =	vsub.f32 $0.0e+00, v13;
	v15 =	vpop (erf);
	v8 =	vsub.f32 $0.0e+00, v8;
	(erf) = vrcp.f32 v12  }
0x19d: {  	v21 =	vadd.f32 $1.000000000e+00, v15;
	v10 =	vpop (erf);
	v9 =	vmul.f32 $1.442695020e+00, v9;
	(erf) = vpow2.f32 v11  }
0x19e: {  	v15 =	vmul.f32 $1.442695020e+00, v8;
	v8 =	vadd.f32 v17, v6;
	v11 =	vadd.f32 v10, v16;
	v12 =	vpop (erf)  }
0x19f: {  	v2 =	vmin.f32 v1, v2;
	v1 =	vmov s4;
	v7 =	vadd.f32 $1.000000000e+00, v7;
	v10 =	vpop (erf)  }
0x1a0: {  	v17 =	vadd.f32 v20, v6;
	(erf) = vpow2.f32 v9;
	v24 =	vsub.f32 $0.0e+00, v8;
	v23 =	vpop (erf)  }
0x1a1: {  	v18 =	vmul.f32 $1.442695020e+00, v13;
	v9 =	vadd.f32 v10, v16;
	v10 =	vadd.f32 v14, v16;
	v16 =	vld [tilespmem:s31+$0x50];
	v13 =	vpop (erf)  }
0x1a2: {  	v20 =	vsub.f32 $0.0e+00, v17;
	(erf) = vrcp.f32 v21;
	v8 =	vadd.f32 v23, v11;
	v11 =	vpop (erf)  }
0x1a3: {  	s4 =	simm.s32 $0x600;
	v17 =	vmul.f32 $1.442695020e+00, v19;
	v19 =	vadd.f32 $1.000000000e+00, v22;
	v21 =	vmul.f32 $1.442695020e+00, v24;
	v14 =	vpop (erf)  }
.LBB2_3:
0x1a4: {  	s5 =	sshra.s32 s4, $0x2;
	p0 =	sne.s32 s4, $0x1FE00;
	s4 =	sadd.s32 $0x200, s4;
	v20 =	vmul.f32 $1.442695020e+00, v20;
	(erf) = vpow2.f32 v15;
	v4 =	vadd.f32 v14, v4;
	v14 =	vpop (erf)  }
0x1a5: {  	v15 =	vld [tilespmem:s5+$0x60];
	(erf) = vpow2.f32 v18;
	v18 =	vadd.f32 $1.000000000e+00, v5;
	v22 =	vpop (erf);
	v9 =	vadd.f32 v14, v9  }
0x1a6: {  	v10 =	vadd.f32 v11, v10;
	v14 =	vld [tilespmem:s5+$0x70];
	v16 =	vadd.f32 v16, v6;
	(erf) = vpow2.f32 v21;
	v21 =	vpop (erf)  }
0x1a7: {  	v12 =	vadd.f32 $1.000000000e+00, v12;
	v22 =	vadd.f32 $1.000000000e+00, v22;
	v11 =	vld [tilespmem:s5+$0x30];
	v5 =	vpop (erf);
	(erf) = vrcp.f32 v19  }
0x1a8: {  	v13 =	vadd.f32 $1.000000000e+00, v13;
	v19 =	vld [tilespmem:s5+$0x20];
	v16 =	vsub.f32 $0.0e+00, v16;
	(erf) = vpow2.f32 v17  }
0x1a9: {  	v4 =	vadd.f32 v21, v4;
	v17 =	vld [tilespmem:s5+$0x0];
	v23 =	vpop (erf);
	(erf) = vrcp.f32 v7  }
0x1aa: {  	v15 =	vadd.f32 v15, v6;
	v7 =	vadd.f32 $1.000000000e+00, v23;
	(erf) = vrcp.f32 v12  }
0x1ab: {  	v21 =	vadd.f32 v14, v6;
	v14 =	vmul.f32 $1.442695020e+00, v16;
	(erf) = vpow2.f32 v20;
	v20 =	vpop (erf)  }
0x1ac: {  	v11 =	vadd.f32 v11, v6;
	v15 =	vsub.f32 $0.0e+00, v15;
	(erf) = vrcp.f32 v22  }
0x1ad: {  	v16 =	vld [tilespmem:s5+$0x10];
	v24 =	vadd.f32 v19, v6;
	v22 =	vsub.f32 $0.0e+00, v21;
	v12 =	vpop (erf);
	(erf) = vrcp.f32 v13  }
0x1ae: {  	v13 =	vadd.f32 v17, v6;
	v17 =	vld [tilespmem:s5+$0x40];
	v21 =	vadd.f32 $1.000000000e+00, v12;
	v23 =	vpop (erf);
	(erf) = vrcp.f32 v18  }
0x1af: {  	v15 =	vmul.f32 $1.442695020e+00, v15;
	v18 =	vsub.f32 $0.0e+00, v24;
	v19 =	vpop (erf);
	(erf) = vpow2.f32 v14  }
0x1b0: {  	v13 =	vsub.f32 $0.0e+00, v13;
	v14 =	vadd.f32 $1.000000000e+00, v19;
	(erf) = vrcp.f32 v21;
	v19 =	vpop (erf)  }
0x1b1: {  	v11 =	vsub.f32 $0.0e+00, v11;
	v18 =	vmul.f32 $1.442695020e+00, v18;
	(erf) = vpow2.f32 v15;
	v12 =	vpop (erf)  }
.Ltmp1:
0x1b2: {  	v8 =	vadd.f32 v19, v8;
	v15 =	vmul.f32 $1.442695020e+00, v13;
	v24 =	vadd.f32 v16, v6;
	v16 =	vpop (erf);
	(pc) =	sbr.rel @p0 .LBB2_3-.Ltmp1, $4  }
0x1b3: {  	v17 =	vadd.f32 v17, v6;
	(erf) = vpow2.f32 v18;
	v9 =	vadd.f32 v16, v9;
	v19 =	vpop (erf)  }
0x1b4: {  	v10 =	vadd.f32 v20, v10;
	v18 =	vmul.f32 $1.442695020e+00, v11;
	v21 =	vsub.f32 $0.0e+00, v24;
	v16 =	vld [tilespmem:s5+$0x50];
	v13 =	vpop (erf)  }
0x1b5: {  	v8 =	vadd.f32 v19, v8;
	v20 =	vsub.f32 $0.0e+00, v17;
	(erf) = vrcp.f32 v14;
	v11 =	vpop (erf)  }
0x1b6: {  	v19 =	vadd.f32 $1.000000000e+00, v23;
	v17 =	vmul.f32 $1.442695020e+00, v22;
	v21 =	vmul.f32 $1.442695020e+00, v21;
	v14 =	vpop (erf)  }
0x1b7: {  	(erf) = vpow2.f32 v15  }
0x1b8: {  	(erf) = vpow2.f32 v18  }
0x1b9: {  	(erf) = vpow2.f32 v21  }
0x1ba: {  	v35 =	vpop (erf);
	(erf) = vrcp.f32 v19  }
0x1bb: {  	v12 =	vadd.f32 $1.000000000e+00, v12;
	v36 =	vpop (erf);
	(erf) = vpow2.f32 v17  }
0x1bc: {  	v37 =	vmul.f32 $1.442695020e+00, v20;
	v16 =	vadd.f32 v16, v6;
	v38 =	vpop (erf);
	(erf) = vrcp.f32 v7  }
0x1bd: {  	v13 =	vadd.f32 $1.000000000e+00, v13;
	v18 =	vadd.f32 $1.000000000e+00, v36;
	v7 =	vpop (erf);
	(erf) = vrcp.f32 v12  }
0x1be: {  	v5 =	vadd.f32 $1.000000000e+00, v5;
	v39 =	vsub.f32 $0.0e+00, v16;
	v40 =	vpop (erf);
	(erf) = vpow2.f32 v37  }
0x1bf: {  	v41 =	vpop (erf);
	(erf) = vrcp.f32 v18  }
0x1c0: {  	v12 =	vmul.f32 $1.442695020e+00, v39;
	v42 =	vpop (erf);
	(erf) = vrcp.f32 v13  }
0x1c1: {  	v43 =	vpop (erf);
	(erf) = vrcp.f32 v5  }
0x1c2: {  	v5 =	vpop (erf);
	(erf) = vpow2.f32 v12  }
0x1c3: {  	v44 =	vpop (erf)  }
0x1c4: {  	v45 =	vpop (erf)  }
0x1c5: {  	v46 =	vpop (erf)  }
0x1c6: {  	v5 =	vadd.f32 $1.000000000e+00, v5;
	v22 =	vpop (erf)  }
0x1c7: {  	v18 =	vadd.f32 $1.000000000e+00, v42;
	v23 =	vpop (erf)  }
0x1c8: {  	v4 =	vadd.f32 v14, v4;
	v24 =	vpop (erf)  }
0x1c9: {  	(v2sf) =	vpush v2, $0x0;
	v13 =	vadd.f32 $1.000000000e+00, v43;
	(erf) = vrcp.f32 v18;
	v47 =	vpop (erf)  }
0x1ca: {  	v9 =	vadd.f32 v35, v9;
	v16 =	vadd.f32 $1.000000000e+00, v40;
	(erf) = vrcp.f32 v5;
	v5 =	vpop (erf)  }
0x1cb: {  	(v2sf) =	vpush v2, $0x1;
	v20 =	vadd.f32 $1.000000000e+00, v45;
	(erf) = vrcp.f32 v13;
	v48 =	vpop (erf)  }
0x1cc: {  	(v2sf) =	vpush v2, $0x2;
	(erf) = vrcp.f32 v16;
	v13 =	vadd.f32 $1.000000000e+00, v48  }
0x1cd: {  	(v2sf) =	vpush v2, $0x3;
	v49 =	vadd.f32 $1.000000000e+00, v23;
	(erf) = vrcp.f32 v20  }
0x1ce: {  	(v2sf) =	vpush v2, $0x4;
	v7 =	vadd.f32 $1.000000000e+00, v7;
	(erf) = vrcp.f32 v13  }
0x1cf: {  	(v2sf) =	vpush v2, $0x5;
	v9 =	vadd.f32 v46, v9;
	(erf) = vrcp.f32 v49  }
0x1d0: {  	v10 =	vadd.f32 v11, v10;
	(v2sf) =	vpush v2, $0x6  }
0x1d1: {  	v4 =	vadd.f32 v38, v4;
	(v2sf) =	vpush v2, $0x7;
	(erf) = vrcp.f32 v7  }
0x1d2: {  	v10 =	vadd.f32 v41, v10;
	v8 =	vadd.f32 v44, v8;
	v7 =	vpop (erf)  }
0x1d3: {  	v4 =	vadd.f32 v47, v4;
	v5 =	vadd.f32 v5, v9;
	v9 =	vpop (erf)  }
0x1d4: {  	v8 =	vadd.f32 v22, v8;
	v10 =	vadd.f32 v24, v10;
	v11 =	vpop (erf)  }
0x1d5: {  	(v2sf) =	vpush v2, $0x8;
	v4 =	vadd.f32 v7, v4;
	v7 =	vpop (erf)  }
0x1d6: {  	(v2sf) =	vpush v2, $0x9;
	v8 =	vadd.f32 v11, v8;
	v11 =	vpop (erf)  }
0x1d7: {  	v9 =	vadd.f32 v9, v10;
	v5 =	vadd.f32 v7, v5;
	v7 =	vpop (erf)  }
0x1d8: {  	(v2sf) =	vpush v2, $0xA;
	v10 =	vpop (erf)  }
0x1d9: {  	v7 =	vadd.f32 v7, v9;
	v4 =	vadd.f32 v10, v4  }
0x1da: {  	(v2sf) =	vpush v2, $0xB;
	v10 =	vpop (erf)  }
0x1db: {  	v5 =	vadd.f32 v10, v5;
	v4 =	vadd.f32 v7, v4  }
0x1dc: {  	(v2sf) =	vpush v2, $0xC  }
0x1dd: {  	v7 =	vadd.f32 v11, v8;
	v4 =	vadd.f32 v5, v4  }
0x1de: {  	(v2sf) =	vpush v2, $0xD  }
0x1df: {  	(v2sf) =	vpush v2, $0xE;
	v4 =	vadd.f32 v7, v4  }
0x1e0: {  	s7 =	spop (v2sf);
	(v2sf) =	vpush v2, $0xF  }
0x1e1: {  	s8 =	spop (v2sf);
	(v2sf) =	vpush v4, $0x0  }
0x1e2: {  	s9 =	spop (v2sf);
	(v2sf) =	vpush v4, $0x1  }
0x1e3: {  	s10 =	spop (v2sf)  }
0x1e4: {  	s11 =	spop (v2sf);
	(v2sf) =	vpush v4, $0x2  }
0x1e5: {  	s12 =	spop (v2sf)  }
0x1e6: {  	s13 =	spop (v2sf);
	(v2sf) =	vpush v4, $0x3  }
0x1e7: {  	s14 =	spop (v2sf)  }
0x1e8: {  	s15 =	spop (v2sf);
	(v2sf) =	vpush v4, $0x4  }
0x1e9: {  	s16 =	spop (v2sf)  }
0x1ea: {  	s17 =	spop (v2sf);
	(v2sf) =	vpush v4, $0x5  }
0x1eb: {  	s18 =	spop (v2sf)  }
0x1ec: {  	s5 =	spop (v2sf);
	(v2sf) =	vpush v4, $0x6  }
0x1ed: {  	s19 =	spop (v2sf)  }
0x1ee: {  	s4 =	spop (v2sf);
	(v2sf) =	vpush v4, $0x7  }
0x1ef: {  	s6 =	spop (v2sf)  }
0x1f0: {  	(v2sf) =	vpush v4, $0x8;
	s20 =	spop (v2sf)  }
0x1f1: {  	s21 =	spop (v2sf)  }
0x1f2: {  	(v2sf) =	vpush v4, $0x9;
	s20 =	sadd.f32 s21, s20  }
0x1f3: {  	s30 =	spop (v2sf)  }
0x1f4: {  	(v2sf) =	vpush v4, $0xA;
	s20 =	sadd.f32 s20, s30  }
0x1f5: {  	s31 =	spop (v2sf)  }
0x1f6: {  	(v2sf) =	vpush v4, $0xB;
	s20 =	sadd.f32 s20, s31  }
0x1f7: {  	s22 =	spop (v2sf)  }
0x1f8: {  	(v2sf) =	vpush v4, $0xC;
	s20 =	sadd.f32 s20, s22  }
0x1f9: {  	s23 =	spop (v2sf)  }
0x1fa: {  	(v2sf) =	vpush v4, $0xD;
	s20 =	sadd.f32 s20, s23  }
0x1fb: {  	s24 =	spop (v2sf)  }
0x1fc: {  	(v2sf) =	vpush v4, $0xE;
	s20 =	sadd.f32 s20, s24  }
0x1fd: {  	s25 =	spop (v2sf)  }
0x1fe: {  	(v2sf) =	vpush v4, $0xF;
	s20 =	sadd.f32 s20, s25  }
0x1ff: {  	v2 =	vadd.f32 v3, v3;
	s26 =	spop (v2sf)  }
0x200: {  	s20 =	sadd.f32 s20, s26  }
0x201: {  	v2 =	vmul.f32 v2, v3;
	s28 =	spop (v2sf)  }
0x202: {  	s20 =	sadd.f32 s20, s28  }
0x203: {  	v0 =	vmul.f32 v3, v0;
	v1 =	vmul.f32 v2, v1;
	s29 =	spop (v2sf)  }
0x204: {  	s7 =	smin.f32 s7, s8;
	s30 =	sadd.f32 s20, s29  }
0x205: {  	s7 =	smin.f32 s7, s9;
	v0 =	vsub.f32 v0, v1;
	s31 =	spop (v2sf)  }
0x206: {  	s7 =	smin.f32 s7, s10;
	s8 =	sadd.f32 s30, s31  }
0x207: {  	s7 =	smin.f32 s7, s11;
	v0 =	vmax.f32 v0, $1.000000050e-03;
	s20 =	spop (v2sf)  }
0x208: {  	s7 =	smin.f32 s7, s12;
	(erf) = vrcp.f32 v0;
	s8 =	sadd.f32 s8, s20  }
0x209: {  	s7 =	smin.f32 s7, s13;
	s21 =	spop (v2sf)  }
0x20a: {  	s7 =	smin.f32 s7, s14;
	s8 =	sadd.f32 s8, s21  }
0x20b: {  	s7 =	smin.f32 s7, s15;
	s22 =	spop (v2sf)  }
0x20c: {  	s7 =	smin.f32 s7, s16;
	s8 =	sadd.f32 s8, s22  }
0x20d: {  	s7 =	smin.f32 s7, s17;
	s23 =	spop (v2sf)  }
0x20e: {  	s7 =	smin.f32 s7, s18;
	s8 =	sadd.f32 s8, s23  }
0x20f: {  	s5 =	smin.f32 s7, s5  }
0x210: {  	s7 =	smin.f32 s5, s19;
	s8 =	sadd.f32 $-6.400000000e+01, s8  }
0x211: {  	s4 =	smin.f32 s7, s4;
	v0 =	vpop (erf);
	s24 =	sshll.u32 s2, $0xB  }
0x212: {  	s3 =	ssub.f32 $-2.000000000e+01, s3;
	s4 =	smin.f32 s4, s6;
	s25 =	sor.u32 $0x60, s24;
	v0 =	vmul.f32 s8, v0  }
0x213: {  	s4 =	ssub.f32 $2.000000000e+01, s4;
	v2 =	vld [tilespmem:s25+$0xFFFFFFE0];
	v1 =	vmov s8  }
0x214: {  	v3 =	vmax.f32 v6, s3;
	v4 =	vld [tilespmem:s25+$0x60];
	vm0 =	vlt.f32 v1, $0.0e+00;
	v0 =	vsub.f32 v6, v0  }
0x215: {  	v5 =	vld [tilespmem:s25+$0x20];
	vm15 =	vge.f32 v1, $0.0e+00;
	v1 =	vmin.f32 v6, s4;
	v3 =	vnsel vm0, s3, v3  }
0x216: {  	v1 =	vnsel vm15, s4, v1;
	v0 =	vmax.f32 v0, v3  }
0x217: {  	v0 =	vmin.f32 v0, v1  }
0x218: {  	v1 =	vadd.f32 v2, v0  }
0x219: {  	v2 =	vadd.f32 v4, v0  }
0x21a: {  	v3 =	vld [tilespmem:s25+$0xFFFFFFA0];
	v4 =	vadd.f32 v5, v0;
	v1 =	vsub.f32 $0.0e+00, v1  }
0x21b: {  	v2 =	vsub.f32 $0.0e+00, v2  }
0x21c: {  	v4 =	vsub.f32 $0.0e+00, v4;
	v1 =	vmul.f32 $1.442695020e+00, v1  }
0x21d: {  	v2 =	vmul.f32 $1.442695020e+00, v2  }
0x21e: {  	v4 =	vmul.f32 $1.442695020e+00, v4;
	(erf) = vpow2.f32 v1  }
0x21f: {  	v1 =	vadd.f32 v3, v0;
	(erf) = vpow2.f32 v2  }
0x220: {  	(erf) = vpow2.f32 v4  }
0x221: {  	v1 =	vsub.f32 $0.0e+00, v1;
	_ =	sdelay $0x1  }
0x222: {  	v1 =	vmul.f32 $1.442695020e+00, v1;
	_ =	sdelay $0x2  }
0x223: {  	(erf) = vpow2.f32 v1  }
0x224: {  	v1 =	vpop (erf)  }
0x225: {  	v2 =	vpop (erf)  }
0x226: {  	v3 =	vpop (erf)  }
0x227: {  	v3 =	vadd.f32 $1.000000000e+00, v3;
	_ =	sdelay $0x1  }
0x228: {  	(erf) = vrcp.f32 v3;
	_ =	sdelay $0x1  }
0x229: {  	s8 =	sadd.s32 $0x100, s25  }
0x22a: {  	v4 =	vld [tilespmem:s8+$0xFFFFFFE0];
	v3 =	vpop (erf)  }
0x22b: {  	v3 =	vadd.f32 $1.000000000e+00, v3  }
0x22c: {  	v1 =	vadd.f32 $1.000000000e+00, v1  }
0x22d: {  	v5 =	vld [tilespmem:s8+$0x60];
	(erf) = vrcp.f32 v3  }
0x22e: {  	v3 =	vld [tilespmem:s8+$0x20];
	(erf) = vrcp.f32 v1  }
0x22f: {  	v1 =	vadd.f32 v4, v0  }
0x230: {  	s3 =	simm.s32 $0x8080;
	v4 =	vpop (erf)  }
0x231: {  	v1 =	vsub.f32 $0.0e+00, v1;
	[tilespmem:s3+$0x0] =	vst v4  }
0x232: {  	v5 =	vadd.f32 v5, v0;
	v4 =	vld [tilespmem:s25+$0x30]  }
0x233: {  	v6 =	vld [tilespmem:s8+$0xFFFFFFA0];
	v3 =	vadd.f32 v3, v0;
	v1 =	vmul.f32 $1.442695020e+00, v1  }
0x234: {  	v5 =	vsub.f32 $0.0e+00, v5  }
0x235: {  	v3 =	vsub.f32 $0.0e+00, v3  }
0x236: {  	v5 =	vmul.f32 $1.442695020e+00, v5;
	v7 =	vpop (erf)  }
0x237: {  	(erf) = vpow2.f32 v1;
	v3 =	vmul.f32 $1.442695020e+00, v3;
	v1 =	vpop (erf);
	v4 =	vadd.f32 v4, v0  }
0x238: {  	(erf) = vpow2.f32 v5;
	[tilespmem:s3+$0xFFFFFFC0] =	vst v1;
	v1 =	vadd.f32 v6, v0  }
0x239: {  	(erf) = vpow2.f32 v3;
	v3 =	vld [tilespmem:s25+$0xFFFFFFF0];
	v4 =	vsub.f32 $0.0e+00, v4  }
0x23a: {  	v1 =	vsub.f32 $0.0e+00, v1  }
0x23b: {  	v4 =	vmul.f32 $1.442695020e+00, v4  }
0x23c: {  	v1 =	vmul.f32 $1.442695020e+00, v1  }
0x23d: {  	(erf) = vpow2.f32 v4  }
0x23e: {  	v3 =	vadd.f32 v3, v0;
	_ =	sdelay $0x1  }
0x23f: {  	(erf) = vpow2.f32 v1;
	v1 =	vpop (erf);
	v3 =	vsub.f32 $0.0e+00, v3  }
0x240: {  	v4 =	vpop (erf)  }
0x241: {  	v2 =	vadd.f32 $1.000000000e+00, v2;
	v5 =	vpop (erf);
	v3 =	vmul.f32 $1.442695020e+00, v3  }
0x242: {  	[tilespmem:s3+$0xFFFFFF80] =	vst v7;
	v5 =	vadd.f32 $1.000000000e+00, v5  }
0x243: {  	(erf) = vpow2.f32 v3;
	v3 =	vld [tilespmem:s25+$0xFFFFFFB0]  }
0x244: {  	(erf) = vrcp.f32 v5  }
0x245: {  	(erf) = vrcp.f32 v2;
	v2 =	vpop (erf)  }
0x246: {  	v2 =	vadd.f32 $1.000000000e+00, v2  }
0x247: {  	s7 =	sadd.s32 $0x100, s8  }
0x248: {  	v6 =	vld [tilespmem:s7+$0xFFFFFFE0];
	v5 =	vpop (erf);
	(erf) = vrcp.f32 v2;
	v2 =	vadd.f32 v3, v0  }
0x249: {  	v5 =	vadd.f32 $1.000000000e+00, v5  }
0x24a: {  	v1 =	vadd.f32 $1.000000000e+00, v1  }
0x24b: {  	v3 =	vld [tilespmem:s7+$0x60];
	(erf) = vrcp.f32 v5  }
0x24c: {  	v5 =	vld [tilespmem:s7+$0x20];
	(erf) = vrcp.f32 v1;
	v1 =	vsub.f32 $0.0e+00, v2;
	v2 =	vpop (erf)  }
0x24d: {  	s4 =	simm.s32 $0x8180;
	v6 =	vadd.f32 v6, v0;
	v7 =	vpop (erf)  }
0x24e: {  	[tilespmem:s4+$0x0] =	vst v7  }
0x24f: {  	s26 =	sor.u32 $0xC0, s24;
	v6 =	vsub.f32 $0.0e+00, v6;
	v1 =	vmul.f32 $1.442695020e+00, v1;
	v7 =	vpop (erf);
	v8 =	vld [tilespmem:s8+$0x30]  }
0x250: {  	s5 =	sor.u32 $0x50, s26;
	v3 =	vadd.f32 v3, v0;
	v2 =	vadd.f32 $1.000000000e+00, v2;
	[tilespmem:s3+$0x40] =	vst v7  }
0x251: {  	v6 =	vmul.f32 $1.442695020e+00, v6;
	v5 =	vadd.f32 v5, v0;
	(erf) = vpow2.f32 v1;
	v7 =	vld [tilespmem:s5+$0x0]  }
0x252: {  	v1 =	vsub.f32 $0.0e+00, v3  }
0x253: {  	v3 =	vld [tilespmem:s7+$0xFFFFFFA0];
	v5 =	vsub.f32 $0.0e+00, v5;
	v9 =	vpop (erf)  }
0x254: {  	(erf) = vrcp.f32 v2;
	v1 =	vmul.f32 $1.442695020e+00, v1;
	v2 =	vpop (erf);
	v8 =	vadd.f32 v8, v0  }
0x255: {  	(erf) = vpow2.f32 v6;
	[tilespmem:s3+$0x10] =	vst v9;
	v5 =	vmul.f32 $1.442695020e+00, v5;
	v6 =	vpop (erf)  }
0x256: {  	v9 =	vld [tilespmem:s25+$0x40];
	(erf) = vpow2.f32 v1;
	[tilespmem:s4+$0xFFFFFFC0] =	vst v6;
	v7 =	vadd.f32 v7, v0;
	v1 =	vsub.f32 $0.0e+00, v8  }
0x257: {  	(erf) = vpow2.f32 v5;
	v5 =	vld [tilespmem:s8+$0xFFFFFFF0]  }
0x258: {  	v3 =	vadd.f32 v3, v0;
	v6 =	vsub.f32 $0.0e+00, v7;
	v1 =	vmul.f32 $1.442695020e+00, v1;
	_ =	sdelay $0x1  }
0x259: {  	v3 =	vsub.f32 $0.0e+00, v3;
	v6 =	vmul.f32 $1.442695020e+00, v6;
	v7 =	vpop (erf);
	(erf) = vpow2.f32 v1  }
0x25a: {  	v8 =	vadd.f32 v9, v0;
	v7 =	vadd.f32 $1.000000000e+00, v7  }
0x25b: {  	v1 =	vmul.f32 $1.442695020e+00, v3;
	v3 =	vadd.f32 v5, v0;
	(erf) = vpow2.f32 v6  }
0x25c: {  	v5 =	vsub.f32 $0.0e+00, v8;
	(erf) = vrcp.f32 v7  }
0x25d: {  	(erf) = vpow2.f32 v1;
	v1 =	vsub.f32 $0.0e+00, v3  }
0x25e: {  	v6 =	vpop (erf);
	v3 =	vmul.f32 $1.442695020e+00, v5  }
0x25f: {  	v7 =	vpop (erf);
	v1 =	vmul.f32 $1.442695020e+00, v1  }
0x260: {  	v5 =	vpop (erf);
	(erf) = vpow2.f32 v3  }
0x261: {  	v8 =	vpop (erf);
	(erf) = vpow2.f32 v1;
	v1 =	vadd.f32 $1.000000000e+00, v4  }
0x262: {  	[tilespmem:s4+$0xFFFFFF80] =	vst v2;
	v3 =	vadd.f32 $1.000000000e+00, v8;
	v2 =	vpop (erf)  }
0x263: {  	v2 =	vadd.f32 $1.000000000e+00, v2  }
0x264: {  	[tilespmem:s3+$0xFFFFFFD0] =	vst v6;
	(erf) = vrcp.f32 v3  }
0x265: {  	v4 =	vld [tilespmem:s25+$0x0];
	(erf) = vrcp.f32 v1;
	v1 =	vpop (erf)  }
0x266: {  	v3 =	vld [tilespmem:s8+$0xFFFFFFB0];
	v6 =	vpop (erf)  }
0x267: {  	v1 =	vadd.f32 $1.000000000e+00, v1;
	(erf) = vrcp.f32 v2;
	v2 =	vpop (erf)  }
0x268: {  	v2 =	vadd.f32 $1.000000000e+00, v2  }
0x269: {  	s6 =	sadd.s32 $0x100, s7;
	(erf) = vrcp.f32 v1  }
0x26a: {  	v7 =	vadd.f32 $1.000000000e+00, v7;
	v8 =	vld [tilespmem:s6+$0x60];
	v9 =	vpop (erf);
	(erf) = vrcp.f32 v2;
	v2 =	vadd.f32 v4, v0  }
0x26b: {  	v1 =	vld [tilespmem:s6+$0xFFFFFFE0];
	v3 =	vadd.f32 v3, v0  }
0x26c: {  	v2 =	vsub.f32 $0.0e+00, v2  }
0x26d: {  	v10 =	vpop (erf);
	v3 =	vsub.f32 $0.0e+00, v3;
	v4 =	vld [tilespmem:s6+$0x20]  }
0x26e: {  	s5 =	simm.s32 $0x8280;
	[tilespmem:s3+$0xFFFFFF90] =	vst v6;
	(erf) = vrcp.f32 v7;
	v7 =	vpop (erf);
	v2 =	vmul.f32 $1.442695020e+00, v2  }
0x26f: {  	s11 =	sadd.s32 $0x100, s26;
	v8 =	vadd.f32 v8, v0;
	v3 =	vmul.f32 $1.442695020e+00, v3;
	[tilespmem:s5+$0x0] =	vst v7;
	v6 =	vpop (erf)  }
0x270: {  	s28 =	sor.u32 $0x50, s11;
	v1 =	vadd.f32 v1, v0;
	v7 =	vld [tilespmem:s7+$0x30];
	[tilespmem:s4+$0x40] =	vst v6  }
0x271: {  	v8 =	vsub.f32 $0.0e+00, v8;
	v9 =	vadd.f32 $1.000000000e+00, v9;
	(erf) = vpow2.f32 v3;
	v6 =	vpop (erf);
	v50 =	vld [tilespmem:s28+$0x0]  }
0x272: {  	v1 =	vsub.f32 $0.0e+00, v1;
	v4 =	vadd.f32 v4, v0;
	[tilespmem:s4+$0x10] =	vst v6;
	(erf) = vpow2.f32 v2;
	v2 =	vpop (erf)  }
0x273: {  	s29 =	sor.u32 $0x60, s26;
	v3 =	vld [tilespmem:s6+$0xFFFFFFA0];
	v6 =	vadd.f32 $1.000000000e+00, v10;
	(erf) = vrcp.f32 v9;
	[tilespmem:s3+$0x50] =	vst v2  }
0x274: {  	v1 =	vmul.f32 $1.442695020e+00, v1;
	v4 =	vsub.f32 $0.0e+00, v4;
	v2 =	vmul.f32 $1.442695020e+00, v8;
	v8 =	vld [tilespmem:s29+$0x0]  }
0x275: {  	v10 =	vld [tilespmem:s8+$0x40];
	v7 =	vadd.f32 v7, v0;
	(erf) = vrcp.f32 v6  }
0x276: {  	v4 =	vmul.f32 $1.442695020e+00, v4;
	(erf) = vpow2.f32 v1;
	v9 =	vadd.f32 v50, v0  }
0x277: {  	v11 =	vld [tilespmem:s25+$0xFFFFFFC0];
	v6 =	vpop (erf);
	v7 =	vsub.f32 $0.0e+00, v7;
	(erf) = vpow2.f32 v2  }
0x278: {  	v1 =	vpop (erf);
	v2 =	vadd.f32 v3, v0;
	v9 =	vsub.f32 $0.0e+00, v9;
	(erf) = vpow2.f32 v4  }
0x279: {  	[tilespmem:s5+$0xFFFFFFC0] =	vst v1;
	v7 =	vmul.f32 $1.442695020e+00, v7;
	v8 =	vadd.f32 v8, v0  }
0x27a: {  	v3 =	vld [tilespmem:s7+$0xFFFFFFF0];
	v4 =	vadd.f32 v10, v0;
	v10 =	vpop (erf);
	v2 =	vsub.f32 $0.0e+00, v2;
	v9 =	vmul.f32 $1.442695020e+00, v9  }
0x27b: {  	(erf) = vpow2.f32 v7;
	v7 =	vadd.f32 $1.000000000e+00, v10;
	v10 =	vpop (erf);
	v8 =	vsub.f32 $0.0e+00, v8  }
0x27c: {  	v1 =	vadd.f32 v11, v0;
	v2 =	vmul.f32 $1.442695020e+00, v2;
	v11 =	vpop (erf);
	(erf) = vpow2.f32 v9  }
0x27d: {  	(erf) = vrcp.f32 v7;
	v7 =	vmul.f32 $1.442695020e+00, v8  }
0x27e: {  	v4 =	vsub.f32 $0.0e+00, v4;
	v9 =	vpop (erf)  }
0x27f: {  	v3 =	vadd.f32 v3, v0;
	v8 =	vpop (erf)  }
0x280: {  	v1 =	vsub.f32 $0.0e+00, v1;
	v4 =	vmul.f32 $1.442695020e+00, v4;
	(erf) = vpow2.f32 v2;
	v2 =	vpop (erf)  }
0x281: {  	v3 =	vsub.f32 $0.0e+00, v3;
	(erf) = vpow2.f32 v7;
	v7 =	vpop (erf)  }
0x282: {  	v1 =	vmul.f32 $1.442695020e+00, v1;
	(erf) = vpow2.f32 v4;
	v4 =	vadd.f32 $1.000000000e+00, v7  }
0x283: {  	v3 =	vmul.f32 $1.442695020e+00, v3  }
0x284: {  	(erf) = vpow2.f32 v1  }
0x285: {  	(erf) = vpow2.f32 v3  }
0x286: {  	v1 =	vadd.f32 $1.000000000e+00, v5;
	(erf) = vrcp.f32 v4;
	v4 =	vpop (erf)  }
0x287: {  	v4 =	vadd.f32 $1.000000000e+00, v4  }
0x288: {  	[tilespmem:s5+$0xFFFFFF80] =	vst v6;
	v3 =	vadd.f32 $1.000000000e+00, v10  }
0x289: {  	v5 =	vld [tilespmem:s7+$0xFFFFFFB0];
	(erf) = vrcp.f32 v1  }
0x28a: {  	s9 =	sadd.s32 $0x100, s6;
	v1 =	vpop (erf);
	(erf) = vrcp.f32 v3  }
0x28b: {  	[tilespmem:s4+$0xFFFFFFD0] =	vst v9;
	v9 =	vld [tilespmem:s9+$0xFFFFFFE0];
	(erf) = vrcp.f32 v4;
	v4 =	vpop (erf)  }
0x28c: {  	v3 =	vld [tilespmem:s8+$0x0];
	v1 =	vadd.f32 $1.000000000e+00, v1;
	v7 =	vpop (erf)  }
0x28d: {  	[tilespmem:s3+$0x20] =	vst v11;
	v11 =	vld [tilespmem:s9+$0x60];
	v7 =	vadd.f32 $1.000000000e+00, v7;
	v10 =	vpop (erf)  }
0x28e: {  	v5 =	vadd.f32 v5, v0;
	(erf) = vrcp.f32 v1;
	[tilespmem:s4+$0xFFFFFF90] =	vst v4;
	v10 =	vadd.f32 $1.000000000e+00, v10  }
0x28f: {  	v8 =	vadd.f32 $1.000000000e+00, v8;
	v51 =	vpop (erf);
	(erf) = vrcp.f32 v7;
	v7 =	vld [tilespmem:s8+$0xFFFFFFC0]  }
0x290: {  	v9 =	vadd.f32 v9, v0;
	v5 =	vsub.f32 $0.0e+00, v5;
	v1 =	vld [tilespmem:s9+$0x20];
	v52 =	vpop (erf);
	(erf) = vrcp.f32 v10  }
0x291: {  	v3 =	vadd.f32 v3, v0;
	v4 =	vpop (erf);
	v10 =	vadd.f32 $1.000000000e+00, v52;
	(erf) = vrcp.f32 v8  }
0x292: {  	v11 =	vadd.f32 v11, v0;
	v5 =	vmul.f32 $1.442695020e+00, v5  }
0x293: {  	s14 =	simm.s32 $0x8380;
	v6 =	vld [tilespmem:s25+$0x50];
	v9 =	vsub.f32 $0.0e+00, v9;
	v3 =	vsub.f32 $0.0e+00, v3;
	v53 =	vpop (erf);
	(erf) = vrcp.f32 v10  }
0x294: {  	v54 =	vpop (erf);
	[tilespmem:s14+$0x0] =	vst v53;
	v10 =	vadd.f32 $1.000000000e+00, v51;
	(erf) = vpow2.f32 v5;
	v5 =	vadd.f32 v7, v0  }
0x295: {  	s12 =	sadd.s32 $0x100, s11;
	v11 =	vsub.f32 $0.0e+00, v11;
	v3 =	vmul.f32 $1.442695020e+00, v3;
	v1 =	vadd.f32 v1, v0;
	v55 =	vpop (erf);
	v56 =	vld [tilespmem:s6+$0x30]  }
0x296: {  	s30 =	sor.u32 $0x50, s12;
	v8 =	vld [tilespmem:s9+$0xFFFFFFA0];
	v4 =	vadd.f32 $1.000000000e+00, v4;
	[tilespmem:s5+$0x40] =	vst v54;
	v57 =	vpop (erf);
	v5 =	vsub.f32 $0.0e+00, v5  }
0x297: {  	v1 =	vsub.f32 $0.0e+00, v1;
	v58 =	vld [tilespmem:s30+$0x0];
	(erf) = vpow2.f32 v3;
	v3 =	vmul.f32 $1.442695020e+00, v9;
	v9 =	vpop (erf)  }
0x298: {  	v6 =	vadd.f32 v6, v0;
	v11 =	vmul.f32 $1.442695020e+00, v11;
	[tilespmem:s5+$0x10] =	vst v57;
	(erf) = vrcp.f32 v10;
	v10 =	vpop (erf)  }
0x299: {  	s31 =	sor.u32 $0x60, s11;
	v1 =	vmul.f32 $1.442695020e+00, v1;
	v7 =	vld [tilespmem:s7+$0x40];
	[tilespmem:s4+$0x50] =	vst v9;
	(erf) = vrcp.f32 v4;
	v59 =	vpop (erf)  }
0x29a: {  	v4 =	vld [tilespmem:s31+$0x0];
	v9 =	vadd.f32 v56, v0;
	(erf) = vpow2.f32 v3;
	v60 =	vmul.f32 $1.442695020e+00, v5;
	v5 =	vpop (erf)  }
0x29b: {  	v8 =	vadd.f32 v8, v0;
	(erf) = vpow2.f32 v11;
	[tilespmem:s14+$0xFFFFFFC0] =	vst v5;
	v5 =	vsub.f32 $0.0e+00, v6  }
0x29c: {  	v3 =	vadd.f32 v58, v0;
	v9 =	vsub.f32 $0.0e+00, v9;
	(erf) = vpow2.f32 v1;
	v6 =	vpop (erf)  }
0x29d: {  	[tilespmem:s3+$0xFFFFFFA0] =	vst v6;
	v6 =	vmul.f32 $1.442695020e+00, v5  }
0x29e: {  	v8 =	vsub.f32 $0.0e+00, v8;
	[tilespmem:s14+$0xFFFFFF80] =	vst v10;
	v1 =	vsub.f32 $0.0e+00, v3;
	v3 =	vld [tilespmem:s6+$0xFFFFFFF0];
	v9 =	vmul.f32 $1.442695020e+00, v9  }
0x29f: {  	v10 =	vld [tilespmem:s6+$0xFFFFFFB0];
	v7 =	vadd.f32 v7, v0;
	v4 =	vadd.f32 v4, v0;
	v5 =	vpop (erf)  }
0x2a0: {  	v1 =	vmul.f32 $1.442695020e+00, v1;
	v11 =	vld [tilespmem:s25+$0xFFFFFFD0];
	(erf) = vpow2.f32 v9;
	v61 =	vadd.f32 $1.000000000e+00, v5;
	v5 =	vpop (erf)  }
0x2a1: {  	s13 =	sor.u32 $0x70, s26;
	v63 =	vadd.f32 $1.000000000e+00, v2;
	[tilespmem:s3+$0x60] =	vst v59;
	v4 =	vsub.f32 $0.0e+00, v4;
	(erf) = vpow2.f32 v6;
	v6 =	vpop (erf)  }
0x2a2: {  	v8 =	vmul.f32 $1.442695020e+00, v8;
	v12 =	vld [tilespmem:s13+$0x0];
	v7 =	vsub.f32 $0.0e+00, v7;
	(erf) = vpow2.f32 v1;
	v62 =	vpop (erf)  }
0x2a3: {  	v4 =	vmul.f32 $1.442695020e+00, v4;
	v9 =	vadd.f32 v3, v0;
	(erf) = vrcp.f32 v61;
	v3 =	vpop (erf)  }
0x2a4: {  	[tilespmem:s3+$0xFFFFFFE0] =	vst v55;
	v7 =	vmul.f32 $1.442695020e+00, v7;
	v10 =	vadd.f32 v10, v0;
	(erf) = vpow2.f32 v8;
	v1 =	vpop (erf)  }
0x2a5: {  	v8 =	vsub.f32 $0.0e+00, v9;
	v9 =	vadd.f32 v11, v0;
	v11 =	vld [tilespmem:s25+$0x10];
	(erf) = vpow2.f32 v4;
	v2 =	vpop (erf)  }
0x2a6: {  	[tilespmem:s5+$0xFFFFFFD0] =	vst v62;
	(erf) = vpow2.f32 v7;
	v7 =	vadd.f32 $1.000000000e+00, v2  }
0x2a7: {  	v10 =	vsub.f32 $0.0e+00, v10;
	[tilespmem:s4+$0x20] =	vst v6;
	v4 =	vadd.f32 v12, v0;
	v6 =	vld [tilespmem:s7+$0x0];
	v8 =	vmul.f32 $1.442695020e+00, v8  }
0x2a8: {  	v5 =	vadd.f32 $1.000000000e+00, v5;
	v9 =	vsub.f32 $0.0e+00, v9;
	(erf) = vpow2.f32 v60  }
0x2a9: {  	v2 =	vmul.f32 $1.442695020e+00, v10;
	v12 =	vsub.f32 $0.0e+00, v4;
	(erf) = vpow2.f32 v8  }
0x2aa: {  	s10 =	simm.s32 $0x8380;
	s15 =	sadd.s32 $0x100, s12;
	v4 =	vld [tilespmem:s8+$0x50];
	v8 =	vmul.f32 $1.442695020e+00, v9;
	(erf) = vrcp.f32 v7;
	v10 =	vadd.f32 v11, v0;
	v7 =	vpop (erf)  }
0x2ab: {  	s16 =	simm.s32 $0x10;
	s17 =	sadd.s32 $0x100, s9;
	s13 =	smov.u32 s15;
	v9 =	vmul.f32 $1.442695020e+00, v12;
	(erf) = vrcp.f32 v63;
	v11 =	vadd.f32 $1.000000000e+00, v7;
	v7 =	vpop (erf)  }
.LBB2_5:
0x2ac: {  	v12 =	vld [tilespmem:s17+$0xFFFFFFE0];
	s16 =	sadd.s32 $0x4, s16;
	s14 =	sadd.s32 $0x100, s14;
	s15 =	sadd.s32 $0x100, s15;
	v6 =	vadd.f32 v6, v0;
	v13 =	vpop (erf);
	(erf) = vrcp.f32 v5;
	v5 =	vsub.f32 $0.0e+00, v10  }
0x2ad: {  	v10 =	vld [tilespmem:s17+$0x20];
	p0 =	slt.u32 s16, $0x1C;
	(erf) = vrcp.f32 v11;
	v11 =	vadd.f32 $1.000000000e+00, v13;
	v13 =	vpop (erf)  }
0x2ae: {  	v14 =	vld [tilespmem:s17+$0x60];
	v15 =	vpop (erf);
	[tilespmem:s5+$0xFFFFFF90] =	vst v13;
	v6 =	vsub.f32 $0.0e+00, v6;
	v5 =	vmul.f32 $1.442695020e+00, v5;
	(erf) = vpow2.f32 v9  }
0x2af: {  	v4 =	vadd.f32 v4, v0;
	v16 =	vadd.f32 $1.000000000e+00, v15;
	v13 =	vpop (erf);
	(erf) = vpow2.f32 v8  }
0x2b0: {  	v7 =	vadd.f32 $1.000000000e+00, v7;
	v8 =	vld [tilespmem:s7+$0xFFFFFFC0];
	v15 =	vpop (erf);
	v13 =	vadd.f32 $1.000000000e+00, v13;
	(erf) = vpow2.f32 v5  }
0x2b1: {  	v6 =	vmul.f32 $1.442695020e+00, v6;
	v5 =	vld [tilespmem:s17+$0xFFFFFFA0];
	v12 =	vadd.f32 v12, v0;
	(erf) = vrcp.f32 v11;
	v11 =	vpop (erf)  }
0x2b2: {  	v17 =	vadd.f32 $1.000000000e+00, v3;
	(erf) = vrcp.f32 v16;
	v9 =	vpop (erf);
	v11 =	vadd.f32 $1.000000000e+00, v11  }
0x2b3: {  	v15 =	vadd.f32 $1.000000000e+00, v15;
	v14 =	vadd.f32 v14, v0;
	v16 =	vpop (erf);
	(erf) = vrcp.f32 v13  }
0x2b4: {  	v10 =	vadd.f32 v10, v0;
	v12 =	vsub.f32 $0.0e+00, v12;
	[tilespmem:s14+$0x0] =	vst v16;
	(erf) = vrcp.f32 v17;
	v3 =	vpop (erf)  }
0x2b5: {  	v13 =	vsub.f32 $0.0e+00, v14;
	v14 =	vld [tilespmem:s9+$0x30];
	v8 =	vadd.f32 v8, v0;
	v16 =	vpop (erf);
	(erf) = vrcp.f32 v7  }
0x2b6: {  	s18 =	sor.u32 $0x50, s13;
	v10 =	vsub.f32 $0.0e+00, v10;
	v7 =	vmul.f32 $1.442695020e+00, v12;
	[tilespmem:s10+$0x40] =	vst v3;
	v3 =	vpop (erf);
	(erf) = vrcp.f32 v11  }
0x2b7: {  	v5 =	vadd.f32 v5, v0;
	v11 =	vmul.f32 $1.442695020e+00, v13;
	[tilespmem:s10+$0x10] =	vst v3;
	v3 =	vld [tilespmem:s18+$0x0];
	(erf) = vpow2.f32 v2;
	v2 =	vpop (erf)  }
0x2b8: {  	v17 =	vadd.f32 $1.000000000e+00, v9;
	v12 =	vld [tilespmem:s6+$0x40];
	(erf) = vpow2.f32 v6;
	[tilespmem:s4+$0xFFFFFFE0] =	vst v16;
	v2 =	vadd.f32 $1.000000000e+00, v2;
	v6 =	vpop (erf)  }
0x2b9: {  	v10 =	vmul.f32 $1.442695020e+00, v10;
	v8 =	vsub.f32 $0.0e+00, v8;
	(erf) = vrcp.f32 v15;
	v13 =	vpop (erf)  }
0x2ba: {  	v15 =	vadd.f32 v14, v0;
	(erf) = vrcp.f32 v17;
	v9 =	vpop (erf);
	v13 =	vadd.f32 $1.000000000e+00, v13  }
0x2bb: {  	s18 =	sor.u32 $0x60, s12;
	v8 =	vmul.f32 $1.442695020e+00, v8;
	v6 =	vadd.f32 $1.000000000e+00, v6;
	(erf) = vpow2.f32 v7;
	v7 =	vpop (erf);
	[tilespmem:s5+$0x50] =	vst v9  }
0x2bc: {  	[tilespmem:s14+$0xFFFFFF80] =	vst v7;
	v7 =	vsub.f32 $0.0e+00, v15;
	v3 =	vadd.f32 v3, v0;
	v9 =	vld [tilespmem:s18+$0x0];
	v14 =	vpop (erf);
	(erf) = vrcp.f32 v13  }
0x2bd: {  	v4 =	vsub.f32 $0.0e+00, v4;
	s18 =	sor.u32 $0x70, s11;
	s11 =	smov.u32 s12;
	s12 =	smov.u32 s13;
	(erf) = vpow2.f32 v11;
	v11 =	vpop (erf);
	v12 =	vadd.f32 v12, v0;
	[tilespmem:s4+$0x60] =	vst v14  }
0x2be: {  	v5 =	vsub.f32 $0.0e+00, v5;
	s13 =	smov.u32 s15;
	(erf) = vpow2.f32 v10;
	[tilespmem:s14+$0xFFFFFFC0] =	vst v11;
	v16 =	vsub.f32 $0.0e+00, v3;
	v10 =	vld [tilespmem:s18+$0x0];
	v11 =	vpop (erf)  }
0x2bf: {  	v4 =	vmul.f32 $1.442695020e+00, v4;
	v17 =	vmul.f32 $1.442695020e+00, v7;
	v13 =	vld [tilespmem:s9+$0xFFFFFFF0];
	v12 =	vsub.f32 $0.0e+00, v12;
	v14 =	vpop (erf);
	[tilespmem:s3+$0x30] =	vst v11  }
0x2c0: {  	v11 =	vld [tilespmem:s9+$0xFFFFFFB0];
	v15 =	vmul.f32 $1.442695020e+00, v16;
	v3 =	vpop (erf);
	[tilespmem:s4+$0xFFFFFFA0] =	vst v14;
	(erf) = vrcp.f32 v2  }
0x2c1: {  	v2 =	vadd.f32 $1.000000000e+00, v3;
	v18 =	vadd.f32 v9, v0;
	v9 =	vpop (erf);
	v14 =	vld [tilespmem:s8+$0xFFFFFFD0];
	(erf) = vrcp.f32 v6  }
0x2c2: {  	v6 =	vmul.f32 $1.442695020e+00, v5;
	(erf) = vpow2.f32 v17;
	v7 =	vpop (erf)  }
0x2c3: {  	v5 =	vadd.f32 $1.000000000e+00, v9;
	v16 =	vpop (erf);
	[tilespmem:s5+$0x20] =	vst v7;
	v17 =	vsub.f32 $0.0e+00, v18;
	(erf) = vpow2.f32 v4  }
0x2c4: {  	v9 =	vmul.f32 $1.442695020e+00, v12;
	v3 =	vpop (erf);
	v4 =	vadd.f32 v13, v0;
	[tilespmem:s10+$0xFFFFFFD0] =	vst v16;
	(erf) = vpow2.f32 v15  }
0x2c5: {  	v11 =	vadd.f32 v11, v0;
	(erf) = vrcp.f32 v2;
	v2 =	vmul.f32 $1.442695020e+00, v17;
	v7 =	vpop (erf)  }
0x2c6: {  	(erf) = vpow2.f32 v6;
	v12 =	vpop (erf);
	v6 =	vsub.f32 $0.0e+00, v4;
	v13 =	vadd.f32 v14, v0;
	v14 =	vld [tilespmem:s8+$0x10];
	[tilespmem:s3+$0xFFFFFFF0] =	vst v7;
	s8 =	smov.u32 s7;
	s7 =	smov.u32 s6;
	s6 =	smov.u32 s9  }
0x2c7: {  	v10 =	vadd.f32 v10, v0;
	v15 =	vadd.f32 $1.000000000e+00, v1;
	s9 =	smov.u32 s17;
	v7 =	vpop (erf);
	v4 =	vld [tilespmem:s8+$0x50];
	(erf) = vpow2.f32 v2  }
.Ltmp2:
0x2c8: {  	v2 =	vsub.f32 $0.0e+00, v11;
	v1 =	vmovc v12;
	v11 =	vmul.f32 $1.442695020e+00, v6;
	v6 =	vld [tilespmem:s7+$0x0];
	(erf) = vpow2.f32 v9;
	(pc) =	sbr.rel @p0 .LBB2_5-.Ltmp2, $4  }
0x2c9: {  	v16 =	vadd.f32 $1.000000000e+00, v7;
	(erf) = vpow2.f32 v8;
	v8 =	vsub.f32 $0.0e+00, v13;
	v9 =	vpop (erf)  }
0x2ca: {  	v12 =	vsub.f32 $0.0e+00, v10;
	v2 =	vmul.f32 $1.442695020e+00, v2;
	(erf) = vpow2.f32 v11;
	[tilespmem:s3+$0x70] =	vst v9;
	v9 =	vpop (erf)  }
0x2cb: {  	(erf) = vrcp.f32 v16;
	v7 =	vpop (erf);
	v8 =	vmul.f32 $1.442695020e+00, v8;
	v10 =	vadd.f32 v14, v0;
	[tilespmem:s3+$0xFFFFFFB0] =	vst v9;
	s3 =	smov.u32 s4;
	s4 =	smov.u32 s5;
	s5 =	smov.u32 s10  }
0x2cc: {  	s17 =	sadd.s32 $0x100, s17;
	v9 =	vmul.f32 $1.442695020e+00, v12;
	s10 =	smov.u32 s14;
	v11 =	vadd.f32 $1.000000000e+00, v7;
	(erf) = vrcp.f32 v15;
	v7 =	vpop (erf)  }
0x2cd: {  	v12 =	vpop (erf);
	(erf) = vrcp.f32 v5;
	v50 =	vsub.f32 $0.0e+00, v10  }
0x2ce: {  	(erf) = vrcp.f32 v11;
	v51 =	vpop (erf)  }
0x2cf: {  	v52 =	vpop (erf);
	v5 =	vmul.f32 $1.442695020e+00, v50;
	(erf) = vpow2.f32 v9  }
0x2d0: {  	v53 =	vadd.f32 $1.000000000e+00, v12;
	v54 =	vpop (erf);
	(erf) = vpow2.f32 v8  }
0x2d1: {  	v55 =	vadd.f32 $1.000000000e+00, v52;
	v56 =	vpop (erf);
	(erf) = vpow2.f32 v5  }
0x2d2: {  	v57 =	vadd.f32 $1.000000000e+00, v54;
	(erf) = vrcp.f32 v53;
	v58 =	vpop (erf)  }
0x2d3: {  	v3 =	vadd.f32 $1.000000000e+00, v3;
	(erf) = vrcp.f32 v55;
	v59 =	vpop (erf)  }
0x2d4: {  	v60 =	vpop (erf);
	(erf) = vrcp.f32 v57  }
0x2d5: {  	(erf) = vrcp.f32 v3;
	v61 =	vpop (erf)  }
0x2d6: {  	v63 =	vpop (erf)  }
0x2d7: {  	s14 =	sadd.s32 $0x100, s14;
	v13 =	vpop (erf)  }
0x2d8: {  	v62 =	vadd.f32 v6, v0;
	[tilespmem:s14+$0x0] =	vst v60;
	v14 =	vpop (erf)  }
0x2d9: {  	v7 =	vadd.f32 $1.000000000e+00, v7;
	v12 =	vld [tilespmem:s9+$0x30];
	v16 =	vpop (erf)  }
0x2da: {  	v5 =	vsub.f32 $0.0e+00, v62;
	v9 =	vadd.f32 $1.000000000e+00, v58;
	v17 =	vpop (erf)  }
0x2db: {  	[tilespmem:s5+$0xFFFFFF90] =	vst v51;
	(erf) = vrcp.f32 v7;
	v20 =	vpop (erf)  }
0x2dc: {  	s16 =	sor.u32 $0x50, s13;
	v10 =	vld [tilespmem:s7+$0xFFFFFFC0];
	v5 =	vmul.f32 $1.442695020e+00, v5;
	[tilespmem:s10+$0x40] =	vst v61;
	(erf) = vrcp.f32 v9;
	v22 =	vpop (erf)  }
0x2dd: {  	v18 =	vadd.f32 $1.000000000e+00, v56;
	v19 =	vld [tilespmem:s16+$0x0];
	[tilespmem:s10+$0x10] =	vst v13;
	(erf) = vpow2.f32 v2;
	v25 =	vpop (erf)  }
0x2de: {  	s19 =	sor.u32 $0x60, s12;
	v8 =	vadd.f32 $1.000000000e+00, v59;
	v13 =	vld [tilespmem:s6+$0x40];
	(erf) = vpow2.f32 v5;
	v21 =	vadd.f32 v12, v0;
	[tilespmem:s5+$0x50] =	vst v20;
	v26 =	vpop (erf)  }
0x2df: {  	v23 =	vadd.f32 $1.000000000e+00, v17;
	(erf) = vrcp.f32 v18;
	v24 =	vld [tilespmem:s19+$0x0];
	[tilespmem:s14+$0xFFFFFFC0] =	vst v26  }
0x2e0: {  	v14 =	vadd.f32 $1.000000000e+00, v14;
	(erf) = vrcp.f32 v8;
	v5 =	vsub.f32 $0.0e+00, v21;
	v8 =	vld [tilespmem:s9+$0xFFFFFFF0]  }
0x2e1: {  	v4 =	vadd.f32 v4, v0;
	v7 =	vadd.f32 $1.000000000e+00, v16;
	(erf) = vrcp.f32 v23  }
0x2e2: {  	v27 =	vadd.f32 v19, v0;
	v5 =	vmul.f32 $1.442695020e+00, v5;
	(erf) = vrcp.f32 v14  }
0x2e3: {  	v4 =	vsub.f32 $0.0e+00, v4;
	v28 =	vadd.f32 v13, v0;
	(erf) = vrcp.f32 v7  }
0x2e4: {  	[tilespmem:s4+$0xFFFFFFE0] =	vst v63;
	v29 =	vsub.f32 $0.0e+00, v27;
	v2 =	vpop (erf);
	(erf) = vpow2.f32 v5;
	v3 =	vadd.f32 v24, v0  }
0x2e5: {  	s11 =	sor.u32 $0x70, s11;
	v4 =	vmul.f32 $1.442695020e+00, v4;
	v30 =	vadd.f32 v10, v0;
	v40 =	vld [tilespmem:s8+$0x10];
	[tilespmem:s4+$0x60] =	vst v25;
	v31 =	vpop (erf);
	v37 =	vadd.f32 v8, v0  }
0x2e6: {  	v32 =	vld [tilespmem:s11+$0x0];
	v11 =	vsub.f32 $0.0e+00, v28;
	v7 =	vmul.f32 $1.442695020e+00, v29;
	v33 =	vpop (erf);
	[tilespmem:s4+$0xFFFFFFA0] =	vst v31;
	v3 =	vsub.f32 $0.0e+00, v3  }
0x2e7: {  	(erf) = vpow2.f32 v4;
	v34 =	vadd.f32 $1.000000000e+00, v33;
	v35 =	vpop (erf);
	v36 =	vld [tilespmem:s8+$0xFFFFFFD0];
	v4 =	vsub.f32 $0.0e+00, v37  }
0x2e8: {  	v5 =	vsub.f32 $0.0e+00, v30;
	(erf) = vpow2.f32 v7;
	v38 =	vpop (erf);
	v39 =	vmul.f32 $1.442695020e+00, v3  }
0x2e9: {  	v11 =	vmul.f32 $1.442695020e+00, v11;
	v15 =	vpop (erf);
	(erf) = vrcp.f32 v34  }
0x2ea: {  	v45 =	vadd.f32 $1.000000000e+00, v1;
	v5 =	vmul.f32 $1.442695020e+00, v5;
	v3 =	vpop (erf);
	(erf) = vpow2.f32 v39  }
0x2eb: {  	v42 =	vadd.f32 v32, v0;
	v43 =	vmul.f32 $1.442695020e+00, v4;
	(erf) = vpow2.f32 v11;
	v4 =	vpop (erf)  }
0x2ec: {  	v48 =	vadd.f32 v40, v0;
	v44 =	vadd.f32 v36, v0;
	(erf) = vpow2.f32 v5;
	v1 =	vpop (erf)  }
0x2ed: {  	v41 =	vadd.f32 $1.000000000e+00, v35;
	v46 =	vsub.f32 $0.0e+00, v42;
	(erf) = vpow2.f32 v43;
	v47 =	vpop (erf)  }
0x2ee: {  	v10 =	vsub.f32 $0.0e+00, v44;
	(erf) = vrcp.f32 v45;
	v7 =	vadd.f32 $1.000000000e+00, v47  }
0x2ef: {  	v49 =	vsub.f32 $0.0e+00, v48;
	v5 =	vmul.f32 $1.442695020e+00, v46;
	(erf) = vrcp.f32 v41  }
0x2f0: {  	v50 =	vmul.f32 $1.442695020e+00, v10;
	v51 =	vpop (erf);
	(erf) = vrcp.f32 v7  }
0x2f1: {  	[tilespmem:s14+$0xFFFFFF80] =	vst v22;
	v6 =	vmul.f32 $1.442695020e+00, v49;
	v52 =	vpop (erf);
	(erf) = vpow2.f32 v5  }
0x2f2: {  	v53 =	vld [tilespmem:s9+$0xFFFFFFB0];
	[tilespmem:s10+$0xFFFFFFD0] =	vst v15;
	v7 =	vadd.f32 $1.000000000e+00, v52;
	v54 =	vpop (erf);
	(erf) = vpow2.f32 v50  }
0x2f3: {  	v55 =	vld [tilespmem:s6+$0x0];
	v56 =	vpop (erf);
	(erf) = vpow2.f32 v6  }
0x2f4: {  	v57 =	vpop (erf);
	(erf) = vrcp.f32 v7  }
0x2f5: {  	v58 =	vadd.f32 $1.000000000e+00, v56;
	v59 =	vpop (erf)  }
0x2f6: {  	v10 =	vadd.f32 $1.000000000e+00, v51;
	v60 =	vpop (erf)  }
0x2f7: {  	v5 =	vadd.f32 v53, v0;
	v12 =	vadd.f32 $1.000000000e+00, v59;
	(erf) = vrcp.f32 v58;
	v61 =	vpop (erf)  }
0x2f8: {  	s20 =	sadd.s32 $0x100, s15;
	[tilespmem:s5+$0x20] =	vst v38;
	v62 =	vadd.f32 v55, v0;
	(erf) = vrcp.f32 v10;
	v63 =	vpop (erf)  }
0x2f9: {  	s21 =	sor.u32 $0x50, s20;
	v20 =	vld [tilespmem:s7+$0x50];
	v5 =	vsub.f32 $0.0e+00, v5;
	[tilespmem:s14+$0x40] =	vst v61;
	(erf) = vrcp.f32 v12;
	v21 =	vpop (erf)  }
0x2fa: {  	v8 =	vsub.f32 $0.0e+00, v62;
	v22 =	vld [tilespmem:s21+$0x0];
	v23 =	vpop (erf)  }
0x2fb: {  	v5 =	vmul.f32 $1.442695020e+00, v5;
	v24 =	vpop (erf)  }
0x2fc: {  	v8 =	vmul.f32 $1.442695020e+00, v8;
	v16 =	vpop (erf)  }
0x2fd: {  	v6 =	vadd.f32 $1.000000000e+00, v57;
	(erf) = vpow2.f32 v5;
	[tilespmem:s14+$0x10] =	vst v21;
	v25 =	vpop (erf)  }
0x2fe: {  	s22 =	sor.u32 $0x60, s13;
	v13 =	vadd.f32 $1.000000000e+00, v60;
	v10 =	vadd.f32 v20, v0;
	(erf) = vpow2.f32 v8;
	v29 =	vld [tilespmem:s9+$0x40];
	[tilespmem:s10+$0x50] =	vst v25  }
0x2ff: {  	[tilespmem:s10+$0xFFFFFF90] =	vst v54;
	(erf) = vrcp.f32 v6;
	v26 =	vadd.f32 $1.000000000e+00, v16;
	v27 =	vadd.f32 v22, v0;
	v28 =	vld [tilespmem:s22+$0x0]  }
0x300: {  	v11 =	vld [tilespmem:s6+$0xFFFFFFC0];
	v10 =	vsub.f32 $0.0e+00, v10;
	v30 =	vadd.f32 $1.000000000e+00, v23;
	(erf) = vrcp.f32 v13;
	v31 =	vpop (erf)  }
0x301: {  	v32 =	vadd.f32 $1.000000000e+00, v24;
	(erf) = vrcp.f32 v26;
	v6 =	vsub.f32 $0.0e+00, v27;
	v5 =	vpop (erf)  }
0x302: {  	s23 =	sor.u32 $0x70, s12;
	v10 =	vmul.f32 $1.442695020e+00, v10;
	[tilespmem:s5+$0x60] =	vst v31;
	v33 =	vpop (erf);
	(erf) = vrcp.f32 v30  }
0x303: {  	v34 =	vld [tilespmem:s23+$0x0];
	v8 =	vadd.f32 v29, v0;
	v6 =	vmul.f32 $1.442695020e+00, v6;
	[tilespmem:s5+$0xFFFFFFA0] =	vst v33;
	(erf) = vrcp.f32 v32  }
0x304: {  	[tilespmem:s5+$0xFFFFFFE0] =	vst v63;
	v35 =	vld [tilespmem:s7+$0xFFFFFFD0];
	(erf) = vpow2.f32 v10;
	v7 =	vadd.f32 v28, v0  }
0x305: {  	v11 =	vadd.f32 v11, v0;
	v36 =	vld [tilespmem:s7+$0x10];
	v8 =	vsub.f32 $0.0e+00, v8;
	(erf) = vpow2.f32 v6  }
0x306: {  	v38 =	vpop (erf);
	v7 =	vsub.f32 $0.0e+00, v7  }
0x307: {  	v37 =	vsub.f32 $0.0e+00, v11;
	v11 =	vadd.f32 $1.000000000e+00, v38;
	v39 =	vpop (erf);
	v8 =	vmul.f32 $1.442695020e+00, v8  }
0x308: {  	v41 =	vpop (erf);
	v12 =	vadd.f32 v34, v0;
	v7 =	vmul.f32 $1.442695020e+00, v7  }
0x309: {  	v40 =	vmul.f32 $1.442695020e+00, v37;
	v42 =	vpop (erf);
	(erf) = vrcp.f32 v11;
	v9 =	vadd.f32 v35, v0  }
0x30a: {  	v10 =	vadd.f32 v36, v0;
	v43 =	vsub.f32 $0.0e+00, v12;
	v6 =	vpop (erf);
	(erf) = vpow2.f32 v7  }
0x30b: {  	v44 =	vadd.f32 $1.000000000e+00, v39;
	v9 =	vsub.f32 $0.0e+00, v9;
	(erf) = vpow2.f32 v8;
	v8 =	vpop (erf)  }
0x30c: {  	v10 =	vsub.f32 $0.0e+00, v10;
	v11 =	vmul.f32 $1.442695020e+00, v43;
	(erf) = vpow2.f32 v40;
	v7 =	vpop (erf)  }
0x30d: {  	v9 =	vmul.f32 $1.442695020e+00, v9;
	v45 =	vpop (erf);
	(erf) = vrcp.f32 v44  }
0x30e: {  	v10 =	vmul.f32 $1.442695020e+00, v10;
	v46 =	vpop (erf);
	(erf) = vpow2.f32 v11  }
0x30f: {  	v47 =	vadd.f32 $1.000000000e+00, v46;
	(erf) = vpow2.f32 v9  }
0x310: {  	(erf) = vpow2.f32 v10  }
0x311: {  	(erf) = vrcp.f32 v47  }
0x312: {  	v48 =	vpop (erf)  }
0x313: {  	v49 =	vpop (erf)  }
0x314: {  	v50 =	vpop (erf)  }
0x315: {  	[tilespmem:s14+$0xFFFFFFD0] =	vst v42;
	v51 =	vpop (erf)  }
0x316: {  	v52 =	vld [tilespmem:s9+$0x0];
	v53 =	vpop (erf)  }
0x317: {  	v10 =	vadd.f32 $1.000000000e+00, v49;
	v17 =	vpop (erf)  }
0x318: {  	v13 =	vadd.f32 $1.000000000e+00, v45;
	v18 =	vpop (erf)  }
0x319: {  	[tilespmem:s10+$0x20] =	vst v41;
	v12 =	vadd.f32 $1.000000000e+00, v51;
	(erf) = vrcp.f32 v10;
	v54 =	vpop (erf)  }
0x31a: {  	v15 =	vld [tilespmem:s6+$0x50];
	[tilespmem:s14+$0xFFFFFF90] =	vst v48;
	(erf) = vrcp.f32 v13;
	v55 =	vpop (erf)  }
0x31b: {  	s24 =	sor.u32 $0x60, s20;
	v56 =	vadd.f32 v52, v0;
	v57 =	vld [tilespmem:s9+$0xFFFFFFC0];
	(erf) = vrcp.f32 v12;
	[tilespmem:s14+$0x50] =	vst v55  }
0x31c: {  	v9 =	vld [tilespmem:s24+$0x0]  }
0x31d: {  	v58 =	vsub.f32 $0.0e+00, v56;
	_ =	sdelay $0x1  }
0x31e: {  	v59 =	vadd.f32 v15, v0;
	v12 =	vmul.f32 $1.442695020e+00, v58  }
0x31f: {  	v11 =	vadd.f32 $1.000000000e+00, v50;
	v14 =	vadd.f32 v57, v0  }
0x320: {  	v10 =	vadd.f32 $1.000000000e+00, v54;
	(erf) = vpow2.f32 v12;
	v9 =	vadd.f32 v9, v0  }
0x321: {  	v60 =	vadd.f32 $1.000000000e+00, v17;
	v13 =	vsub.f32 $0.0e+00, v59;
	(erf) = vrcp.f32 v11;
	v61 =	vpop (erf)  }
0x322: {  	v62 =	vadd.f32 $1.000000000e+00, v18;
	(erf) = vrcp.f32 v10;
	v63 =	vpop (erf);
	v9 =	vsub.f32 $0.0e+00, v9  }
0x323: {  	s25 =	sor.u32 $0x70, s13;
	v21 =	vmul.f32 $1.442695020e+00, v13;
	(erf) = vrcp.f32 v60;
	[tilespmem:s10+$0x60] =	vst v61;
	v22 =	vpop (erf)  }
0x324: {  	v23 =	vsub.f32 $0.0e+00, v14;
	(erf) = vrcp.f32 v62;
	v24 =	vld [tilespmem:s25+$0x0];
	[tilespmem:s10+$0xFFFFFFA0] =	vst v22;
	v9 =	vmul.f32 $1.442695020e+00, v9  }
0x325: {  	[tilespmem:s10+$0xFFFFFFE0] =	vst v53;
	(erf) = vpow2.f32 v21;
	v13 =	vld [tilespmem:s6+$0xFFFFFFD0]  }
0x326: {  	v26 =	vld [tilespmem:s6+$0x10];
	v25 =	vmul.f32 $1.442695020e+00, v23;
	(erf) = vpow2.f32 v9;
	_ =	sdelay $0x1  }
0x327: {  	(erf) = vpow2.f32 v25  }
0x328: {  	v27 =	vpop (erf);
	v28 =	vadd.f32 v24, v0  }
0x329: {  	v29 =	vpop (erf);
	v13 =	vadd.f32 v13, v0  }
0x32a: {  	v12 =	vadd.f32 v26, v0;
	v30 =	vpop (erf);
	v11 =	vsub.f32 $0.0e+00, v28  }
0x32b: {  	v9 =	vadd.f32 $1.000000000e+00, v27;
	v31 =	vpop (erf);
	v13 =	vsub.f32 $0.0e+00, v13  }
0x32c: {  	v12 =	vsub.f32 $0.0e+00, v12;
	v32 =	vpop (erf);
	v11 =	vmul.f32 $1.442695020e+00, v11  }
0x32d: {  	v33 =	vpop (erf);
	(erf) = vrcp.f32 v9;
	v13 =	vmul.f32 $1.442695020e+00, v13  }
0x32e: {  	v34 =	vmul.f32 $1.442695020e+00, v12;
	(erf) = vpow2.f32 v11;
	v35 =	vpop (erf)  }
0x32f: {  	(erf) = vpow2.f32 v13;
	v11 =	vadd.f32 $1.000000000e+00, v35  }
0x330: {  	v36 =	vadd.f32 $1.000000000e+00, v33;
	(erf) = vpow2.f32 v34;
	v37 =	vpop (erf)  }
0x331: {  	v9 =	vadd.f32 $1.000000000e+00, v37;
	(erf) = vrcp.f32 v11  }
0x332: {  	(erf) = vrcp.f32 v36  }
0x333: {  	(erf) = vrcp.f32 v9;
	_ =	sdelay $0x2  }
0x334: {  	v38 =	vpop (erf)  }
0x335: {  	v39 =	vpop (erf)  }
0x336: {  	v40 =	vpop (erf)  }
0x337: {  	[tilespmem:s14+$0x20] =	vst v29;
	v41 =	vpop (erf)  }
0x338: {  	v19 =	vld [tilespmem:s9+$0x50];
	v42 =	vpop (erf)  }
0x339: {  	[tilespmem:s14+$0xFFFFFFE0] =	vst v38;
	v43 =	vpop (erf)  }
0x33a: {  	s26 =	sor.u32 $0x70, s20;
	v46 =	vld [tilespmem:s9+$0x10];
	[tilespmem:s14+$0x60] =	vst v42;
	v44 =	vpop (erf)  }
0x33b: {  	v20 =	vld [tilespmem:s26+$0x0];
	[tilespmem:s14+$0xFFFFFFA0] =	vst v44  }
0x33c: {  	v45 =	vld [tilespmem:s9+$0xFFFFFFD0]  }
0x33d: {  	v19 =	vadd.f32 v19, v0;
	_ =	sdelay $0x1  }
0x33e: {  	v48 =	vsub.f32 $0.0e+00, v19;
	v11 =	vadd.f32 $1.000000000e+00, v39  }
0x33f: {  	v13 =	vadd.f32 $1.000000000e+00, v41;
	v20 =	vadd.f32 v20, v0  }
0x340: {  	v47 =	vadd.f32 v46, v0;
	v9 =	vadd.f32 v45, v0  }
0x341: {  	v12 =	vadd.f32 $1.000000000e+00, v40;
	(erf) = vrcp.f32 v13;
	v49 =	vsub.f32 $0.0e+00, v20  }
0x342: {  	v50 =	vmul.f32 $1.442695020e+00, v48;
	(erf) = vrcp.f32 v11;
	v9 =	vsub.f32 $0.0e+00, v9  }
0x343: {  	(erf) = vrcp.f32 v12;
	v0 =	vsub.f32 $0.0e+00, v47;
	v51 =	vmul.f32 $1.442695020e+00, v49  }
0x344: {  	(erf) = vpow2.f32 v50;
	v9 =	vmul.f32 $1.442695020e+00, v9  }
0x345: {  	v0 =	vmul.f32 $1.442695020e+00, v0;
	(erf) = vpow2.f32 v51  }
0x346: {  	(erf) = vpow2.f32 v9  }
0x347: {  	(erf) = vpow2.f32 v0;
	_ =	sdelay $0x2  }
0x348: {  	v52 =	vpop (erf)  }
0x349: {  	v53 =	vpop (erf)  }
0x34a: {  	[tilespmem:s3+$0x30] =	vst v2;
	v54 =	vpop (erf)  }
0x34b: {  	[tilespmem:s3+$0xFFFFFFF0] =	vst v3;
	v55 =	vpop (erf)  }
0x34c: {  	[tilespmem:s3+$0x70] =	vst v4;
	v56 =	vpop (erf)  }
0x34d: {  	[tilespmem:s3+$0xFFFFFFB0] =	vst v1;
	v57 =	vpop (erf)  }
0x34e: {  	[tilespmem:s4+$0x30] =	vst v5;
	v3 =	vadd.f32 $1.000000000e+00, v55;
	v58 =	vpop (erf)  }
0x34f: {  	[tilespmem:s4+$0xFFFFFFF0] =	vst v6;
	v5 =	vadd.f32 $1.000000000e+00, v58  }
0x350: {  	[tilespmem:s4+$0x70] =	vst v8;
	(erf) = vrcp.f32 v3;
	v59 =	vadd.f32 $1.000000000e+00, v56  }
0x351: {  	[tilespmem:s4+$0xFFFFFFB0] =	vst v7;
	v1 =	vadd.f32 $1.000000000e+00, v57;
	(erf) = vrcp.f32 v5  }
0x352: {  	[tilespmem:s5+$0x30] =	vst v63;
	(erf) = vrcp.f32 v59  }
0x353: {  	[tilespmem:s5+$0xFFFFFFF0] =	vst v30;
	(erf) = vrcp.f32 v1  }
0x354: {  	[tilespmem:s5+$0x70] =	vst v31  }
0x355: {  	[tilespmem:s5+$0xFFFFFFB0] =	vst v32  }
0x356: {  	[tilespmem:s10+$0x30] =	vst v43  }
0x357: {  	[tilespmem:s10+$0xFFFFFFF0] =	vst v52  }
0x358: {  	[tilespmem:s10+$0x70] =	vst v53  }
0x359: {  	[tilespmem:s10+$0xFFFFFFB0] =	vst v54;
	v60 =	vpop (erf)  }
0x35a: {  	[tilespmem:s14+$0x30] =	vst v60;
	v61 =	vpop (erf)  }
0x35b: {  	[tilespmem:s14+$0xFFFFFFF0] =	vst v61;
	v62 =	vpop (erf)  }
0x35c: {  	s28 =	sshll.u32 s2, $0x8;
	s29 =	simm.s32 $0x0;
	[tilespmem:s14+$0x70] =	vst v62;
	v63 =	vpop (erf)  }
0x35d: {  	s30 =	simm.s32 $0x8000;
	s31 =	simm.s32 $0x1;
	s1 =	sadd.s32 s1, s28;
	[tilespmem:s14+$0xFFFFFFB0] =	vst v63  }
0x35e: {  	[hbm4b:s1+s29] =	stream.linear.scatter [tilespmem:s30], [sflag:$0x1], $0x800, $0x38;
	[tilespmem:$0x8800] =	vst v63  }
0x35f: {  	_ =	swait.ge [sflag:s31], $0x800  }
0x360: {  	[sflag:s31] =	ssyncset.done $0x0  }
0x361: {  	[sflag:s31] =	ssyncadd.s32 $0xFFFFF800  }
0x362: {  	_ =	sfence.sel $0x180000  }
0x363: {  	[bflag:$0x0] =	sbarrier.arrive $0xFFFF  }
0x364: {  	p0 =	sne.s32 s2, $0x0;
	_ =	strace $0x90000047  }
0x365: {  	s0 =	sadd.s32 @!p0 $0x100000, s0;
	[bflag:$0x2] =	sbarrier.arrive $0xFFFF  }
0x366: {  	[sflag:s0] =	ssyncadd.tile.s32 @!p0 $0x1;
	_ =	shalt  }
.Lfunc_end2:
_tile_overlayer_lowered:
.L_overlay_start_2:
0x367: {  	(tag) =	ssettag $0x2  }
0x368: {  	s0 =	rddreg [dreg:$0x0];
	s2 =	stileid.u32  }
0x369: {  	s1 =	rddreg [dreg:$0x1];
	p0 =	sne.s32 s2, $0x0  }
0x36a: {  	s3 =	rddreg [dreg:$0x2];
	[bflag:$0x3] =	sbarrier.arrive $0xFFFF;
	s2 =	simm.s32 @!p0 $0x1C01  }
0x36b: {  	[timem:s3], [sflag:s2] =	dma.local @!p0 [hbm:s0], s1  }
0x36c: {  	s0 =	simm.s32 @!p0 $0x1  }
0x36d: {  	_ =	swait.ge @!p0 [sflag:s0], s1  }
0x36e: {  	s1 =	ssub.s32 @!p0 $0x0, s1;
	[sflag:s0] =	ssyncset.done @!p0 $0x0  }
0x36f: {  	[sflag:s0] =	ssyncadd.s32 @!p0 s1  }
0x370: {  	[bflag:$0x3] =	sbarrier.arrive $0xFFFF  }
0x371: {  	_ =	shalt  }

</sc_bundles>
